<compile_context>
chip_gen: v7x
topology: tpu7x:2x2x1
jax: 0.10.2.dev20260603
libtpu: 0.0.44.dev20260713+nightly
codegen_flags: <defaults>
</compile_context>

<pallas_src>
import functools

import jax
import jax.numpy as jnp
from jax import lax
from jax.experimental import pallas as pl
from jax.experimental.pallas import tpu as pltpu
from jax.experimental.pallas import tpu_sc as plsc

NN = 10000
EE = 320000
DIN = 128
DOUT = 20
PC = 24
CPT = 3
NSPLIT = 8
NGRP = 4
EPG = EE // NGRP
CH = 8000
NCH = EPG // CH
NTILES = 32


def _pre_body(x_ref, WT_ref, asrc_ref, adst_ref, hT_ref, as_ref, ad_ref, ws_ref):
    hT = jax.lax.dot_general(
        WT_ref[...], x_ref[...], (((1,), (1,)), ((), ())),
        preferred_element_type=jnp.float32)
    hT_ref[0:DOUT, :] = hT
    hT_ref[DOUT:DOUT + 1, :] = jnp.ones((1, NN), jnp.float32)
    hT_ref[DOUT + 1:PC, :] = jnp.zeros((PC - DOUT - 1, NN), jnp.float32)
    a_s = jnp.dot(asrc_ref[...], hT, preferred_element_type=jnp.float32)
    a_d = jnp.dot(adst_ref[...], hT, preferred_element_type=jnp.float32)
    as_ref[...] = a_s.reshape(NN)
    ad_ref[...] = a_d.reshape(NN)
    al = a_s + a_d
    ws_ref[...] = jnp.exp(jnp.maximum(al, 0.2 * al))


_pre_call = pl.pallas_call(
    _pre_body,
    out_shape=[
        jax.ShapeDtypeStruct((PC, NN), jnp.float32),
        jax.ShapeDtypeStruct((NN,), jnp.float32),
        jax.ShapeDtypeStruct((NN,), jnp.float32),
        jax.ShapeDtypeStruct((1, NN), jnp.float32),
    ],
)


def _edge_body(hT_hbm, asrc_hbm, adst_hbm, ei_hbm, out_hbm,
               hcols, acc, asv, adv, srcv0, srcv1, dstv0, dstv1, sem0, sem1):
    srcv = (srcv0, srcv1)
    dstv = (dstv0, dstv1)
    sems = (sem0, sem1)
    wid = lax.axis_index("s") * 2 + lax.axis_index("c")
    g = wid // NSPLIT
    k = wid % NSPLIT
    pltpu.sync_copy(hT_hbm.at[pl.ds(k * CPT * NN, CPT * NN)], hcols)
    pltpu.sync_copy(hT_hbm.at[pl.ds((DOUT + 1) * NN, CPT * NN)], acc)
    pltpu.sync_copy(asrc_hbm, asv)
    pltpu.sync_copy(adst_hbm, adv)
    ebase = g * EPG

    def _start(ci, b):
        pltpu.make_async_copy(
            ei_hbm.at[pl.ds(ebase + ci * CH, CH)], srcv[b], sems[b]).start()
        pltpu.make_async_copy(
            ei_hbm.at[pl.ds(EE + ebase + ci * CH, CH)], dstv[b], sems[b]).start()

    def _wait(b):
        pltpu.make_async_copy(
            ei_hbm.at[pl.ds(ebase, CH)], srcv[b], sems[b]).wait()
        pltpu.make_async_copy(
            ei_hbm.at[pl.ds(EE + ebase, CH)], dstv[b], sems[b]).wait()

    _start(0, 0)
    _start(1, 1)

    def chunk_pair(cp, _):
        for b in range(2):
            ci = cp * 2 + b
            _wait(b)

            sv, dv = srcv[b], dstv[b]

            @plsc.parallel_loop(0, CH, step=16, unroll=4)
            def vec_body(i):
                s16 = sv[pl.ds(i, 16)]
                d16 = dv[pl.ds(i, 16)]
                a1 = plsc.load_gather(asv, [s16])
                a2 = plsc.load_gather(adv, [d16])
                al = a1 + a2
                w = jnp.exp(jnp.maximum(al, 0.2 * al))
                for r in range(CPT):
                    hv = plsc.load_gather(hcols, [s16 + (r * NN)])
                    plsc.addupdate_scatter(acc, [d16 + (r * NN)], hv * w)

            @pl.when(ci + 2 < NCH)
            def _():
                _start(ci + 2, b)

        return 0

    lax.fori_loop(0, NCH // 2, chunk_pair, 0)
    pltpu.sync_copy(acc, out_hbm.at[pl.ds(wid * CPT * NN, CPT * NN)])


_edge_call = functools.partial(
    pl.kernel,
    out_type=jax.ShapeDtypeStruct((NTILES * CPT * NN,), jnp.float32),
    mesh=plsc.VectorSubcoreMesh(core_axis_name="c", subcore_axis_name="s"),
    compiler_params=pltpu.CompilerParams(needs_layout_passes=False),
    scratch_types=[
        pltpu.VMEM((CPT * NN,), jnp.float32),
        pltpu.VMEM((CPT * NN,), jnp.float32),
        pltpu.VMEM((NN,), jnp.float32),
        pltpu.VMEM((NN,), jnp.float32),
        pltpu.VMEM((CH,), jnp.int32),
        pltpu.VMEM((CH,), jnp.int32),
        pltpu.VMEM((CH,), jnp.int32),
        pltpu.VMEM((CH,), jnp.int32),
        pltpu.SemaphoreType.DMA,
        pltpu.SemaphoreType.DMA,
    ],
)(_edge_body)


def _stack_body(ei_ref, out_ref, ones_ref):
    out_ref[:, 0:EE] = ei_ref[...]
    out_ref[:, EE:EE + NN] = jax.lax.broadcasted_iota(jnp.int32, (2, NN), 1)
    ones_ref[...] = jnp.ones((1, EE + NN), jnp.float32)


_stack_call = pl.pallas_call(
    _stack_body,
    out_shape=[
        jax.ShapeDtypeStruct((2, EE + NN), jnp.int32),
        jax.ShapeDtypeStruct((1, EE + NN), jnp.float32),
    ],
)


def _combine_body(A_ref, hT_ref, ws_ref, bias_ref, out_ref):
    ns = (A_ref[0:PC, :] + A_ref[PC:2 * PC, :]
          + A_ref[2 * PC:3 * PC, :] + A_ref[3 * PC:4 * PC, :])
    ws = ws_ref[...]
    num = ns[0:DOUT, :] + ws * hT_ref[0:DOUT, :]
    den = ns[DOUT:DOUT + 1, :] + ws + 1e-16
    out_ref[...] = num / den + bias_ref[...]


_combine_call = pl.pallas_call(
    _combine_body,
    out_shape=jax.ShapeDtypeStruct((DOUT, NN), jnp.float32),
)


def kernel(x, edge_index, W, att_src, att_dst, bias):
    hT, a_s, a_d, ws = _pre_call(
        x, W.T, att_src.reshape(1, DOUT), att_dst.reshape(1, DOUT))
    A = _edge_call(hT.reshape(-1), a_s, a_d, edge_index.reshape(-1))
    outT = _combine_call(A.reshape(NGRP * PC, NN), hT, ws, bias.reshape(DOUT, 1))
    out = outT.T
    stacked, ones_row = _stack_call(edge_index)
    attn = ones_row.reshape(EE + NN, 1)
    return out, (stacked, attn)

# --- scband reference (transcript-rebuilt; emitter-appended) ---
"""Pipeline reference for scband-coral-model-82300163326637 (READ-ONLY COPY).

The authoritative reference and input builder live on the scoring server;
editing this copy changes nothing except your own understanding.
"""

import jax, jax.numpy as jnp
import numpy as np

N = 10000
E = 320000
D_IN = 128
D_OUT = 20


def setup_inputs(seed: int = 0) -> dict:
    key = jax.random.key(seed)
    k1, k2, k3, k4, k5 = jax.random.split(key, 5)
    x = jax.random.normal(k1, (N, D_IN), dtype=jnp.float32)
    edge_index = jax.random.randint(k2, (2, E), 0, N, dtype=jnp.int32)
    # GATConv learned parameters (heads=1): lin weight, attention vectors, bias
    W = jax.random.normal(k3, (D_IN, D_OUT), dtype=jnp.float32) * 0.1
    att_src = jax.random.normal(k4, (D_OUT,), dtype=jnp.float32) * 0.1
    att_dst = jax.random.normal(k5, (D_OUT,), dtype=jnp.float32) * 0.1
    bias = jnp.zeros((D_OUT,), dtype=jnp.float32)
    return {"x": x, "edge_index": edge_index, "W": W, "att_src": att_src, "att_dst": att_dst, "bias": bias}


def reference(x, edge_index, W, att_src, att_dst, bias):
    # myGATConv.forward (eval mode: the F.dropout on x is identity).
    # PyG GATConv with heads=1, concat=True, add_self_loops=True.
    src = edge_index[0]
    dst = edge_index[1]
    loop = jnp.arange(N, dtype=src.dtype)
    src = jnp.concatenate([src, loop])
    dst = jnp.concatenate([dst, loop])
    h = x @ W                       # [N, D_OUT] linear transform
    a_src = h @ att_src             # [N] per-node source attention logit
    a_dst = h @ att_dst             # [N] per-node dest attention logit
    alpha = a_src[src] + a_dst[dst]              # gather per edge
    alpha = jax.nn.leaky_relu(alpha, 0.2)
    # softmax over incoming edges of each destination node
    m = jax.ops.segment_max(alpha, dst, num_segments=N)
    m = jnp.where(jnp.isfinite(m), m, 0.0)
    e = jnp.exp(alpha - m[dst])
    s = jax.ops.segment_sum(e, dst, num_segments=N)
    coef = e / (s[dst] + 1e-16)                  # [E+N]
    msg = h[src] * coef[:, None]                 # gather + scale
    out = jax.ops.segment_sum(msg, dst, num_segments=N)  # scatter-add aggregation
    out = out + bias
    # myGATConv post-processing: nan_to_num then softmax over dim=1 of [E', heads]
    attn = jnp.nan_to_num(coef[:, None])
    attn = jax.nn.softmax(attn, axis=1)          # heads=1 -> all ones, faithful to source
    return out, (jnp.stack([src, dst]), attn)

if __name__ == "__main__":
    import jax
    _d = setup_inputs()
    print(jax.jit(kernel)(*tuple(_d.values())))

</pallas_src>

<mosaic_0001>
#map = affine_map<(d0, d1) -> (0)>
module attributes {stable_mosaic.version = 14 : i64} {
  func.func @_edge_body(%arg0: i32, %arg1: i32, %arg2: memref<240000xf32, #tpu.memory_space<hbm>>, %arg3: memref<10000xf32, #tpu.memory_space<hbm>>, %arg4: memref<10000xf32, #tpu.memory_space<hbm>>, %arg5: memref<640000xi32, #tpu.memory_space<hbm>>, %arg6: memref<960000xf32, #tpu.memory_space<hbm>>, %arg7: memref<30000xf32, #tpu.memory_space<vmem>>, %arg8: memref<30000xf32, #tpu.memory_space<vmem>>, %arg9: memref<10000xf32, #tpu.memory_space<vmem>>, %arg10: memref<10000xf32, #tpu.memory_space<vmem>>, %arg11: memref<8000xi32, #tpu.memory_space<vmem>>, %arg12: memref<8000xi32, #tpu.memory_space<vmem>>, %arg13: memref<8000xi32, #tpu.memory_space<vmem>>, %arg14: memref<8000xi32, #tpu.memory_space<vmem>>, %arg15: memref<!tpu.dma_semaphore, #tpu.memory_space<semaphore_mem>>, %arg16: memref<!tpu.dma_semaphore, #tpu.memory_space<semaphore_mem>>) attributes {dimension_semantics = [#tpu.dimension_semantics<core_parallel>, #tpu.dimension_semantics<subcore_parallel>], iteration_bounds = array<i64: 2, 16>, scalar_prefetch = 0 : i64, scratch_operands = 10 : i64, tpu.core_type = #tpu.core_type<sc_vector_subcore>, window_params = [{transform_indices = #map}, {transform_indices = #map}, {transform_indices = #map}, {transform_indices = #map}, {transform_indices = #map}]} {
    %mul3A = arith.constant 2 : i32
    %mul3A_0 = arith.muli %arg1, %mul3A : i32
    %add3A = arith.addi %mul3A_0, %arg0 : i32
    %jit3A = arith.constant 8 : i32
    %div3A = arith.divsi %add3A, %jit3A : i32
    %sign3A = arith.constant 0 : i32
    %sign3A_1 = arith.cmpi sgt, %add3A, %sign3A : i32
    %sign3A_2 = arith.extui %sign3A_1 : i1 to i32
    %sign3A_3 = arith.constant 0 : i32
    %sign3A_4 = arith.cmpi slt, %add3A, %sign3A_3 : i32
    %sign3A_5 = arith.extui %sign3A_4 : i1 to i32
    %sign3A_6 = arith.subi %sign3A_2, %sign3A_5 : i32
    %sign3A_7 = arith.constant 0 : i32
    %sign3A_8 = arith.cmpi sgt, %jit3A, %sign3A_7 : i32
    %sign3A_9 = arith.extui %sign3A_8 : i1 to i32
    %sign3A_10 = arith.constant 0 : i32
    %sign3A_11 = arith.cmpi slt, %jit3A, %sign3A_10 : i32
    %sign3A_12 = arith.extui %sign3A_11 : i1 to i32
    %sign3A_13 = arith.subi %sign3A_9, %sign3A_12 : i32
    %ne3A = arith.cmpi ne, %sign3A_6, %sign3A_13 : i32
    %rem3A = arith.remsi %add3A, %jit3A : i32
    %ne3A_14 = arith.constant 0 : i32
    %ne3A_15 = arith.cmpi ne, %rem3A, %ne3A_14 : i32
    %and3A = arith.andi %ne3A, %ne3A_15 : i1
    %sub3A = arith.constant 1 : i32
    %sub3A_16 = arith.subi %div3A, %sub3A : i32
    %select_n3A = arith.select %and3A, %sub3A_16, %div3A : i32
    %jit3A_17 = arith.constant 8 : i32
    %eq3A = arith.constant 0 : i32
    %eq3A_18 = arith.cmpi eq, %jit3A_17, %eq3A : i32
    %jit3A_19 = arith.constant 1 : i32
    %select_n3A_20 = arith.select %eq3A_18, %jit3A_19, %jit3A_17 : i32
    %rem3A_21 = arith.remsi %add3A, %select_n3A_20 : i32
    %ne3A_22 = arith.constant 0 : i32
    %ne3A_23 = arith.cmpi ne, %rem3A_21, %ne3A_22 : i32
    %lt3A = arith.constant 0 : i32
    %lt3A_24 = arith.cmpi slt, %rem3A_21, %lt3A : i32
    %lt3A_25 = arith.constant 0 : i32
    %lt3A_26 = arith.cmpi slt, %select_n3A_20, %lt3A_25 : i32
    %ne3A_27 = arith.xori %lt3A_24, %lt3A_26 : i1
    %and3A_28 = arith.andi %ne3A_27, %ne3A_23 : i1
    %add3A_29 = arith.addi %rem3A_21, %select_n3A_20 : i32
    %select_n3A_30 = arith.select %and3A_28, %add3A_29, %rem3A_21 : i32
    %mul3A_31 = arith.constant 3 : i32
    %mul3A_32 = arith.muli %select_n3A_30, %mul3A_31 : i32
    %mul3A_33 = arith.constant 10000 : i32
    %mul3A_34 = arith.muli %mul3A_32, %mul3A_33 : i32
    "tpu.region"() ({
      %run_scoped3A = tpu.sem_alloc : memref<!tpu.dma_semaphore, #tpu.memory_space<semaphore_mem>>
      %dma_start3A_66 = tpu.memref_slice %arg2[%mul3A_34] : memref<240000xf32, #tpu.memory_space<hbm>> -> memref<30000xf32, #tpu.memory_space<hbm>>
      %dma_start3A_67 = tpu.memref_slice %arg2[%mul3A_34] : memref<240000xf32, #tpu.memory_space<hbm>> -> memref<30000xf32, #tpu.memory_space<hbm>>
      tpu.enqueue_dma source(%dma_start3A_67 : memref<30000xf32, #tpu.memory_space<hbm>>) target(%arg7 : memref<30000xf32, #tpu.memory_space<vmem>>) target_semaphore(%run_scoped3A : memref<!tpu.dma_semaphore, #tpu.memory_space<semaphore_mem>>)
      %dma_wait3A = tpu.memref_slice %arg2[%mul3A_34] : memref<240000xf32, #tpu.memory_space<hbm>> -> memref<30000xf32, #tpu.memory_space<hbm>>
      %dma_wait3A_68 = tpu.memref_slice %arg2[%mul3A_34] : memref<240000xf32, #tpu.memory_space<hbm>> -> memref<30000xf32, #tpu.memory_space<hbm>>
      tpu.wait_dma2 semaphore(%run_scoped3A : memref<!tpu.dma_semaphore, #tpu.memory_space<semaphore_mem>>) src(%dma_wait3A_68 : memref<30000xf32, #tpu.memory_space<hbm>>) dst(%arg7 : memref<30000xf32, #tpu.memory_space<vmem>>)
      tpu.yield
    }) : () -> ()
    "tpu.region"() ({
      %run_scoped3A = tpu.sem_alloc : memref<!tpu.dma_semaphore, #tpu.memory_space<semaphore_mem>>
      %dma_start3A_66 = arith.constant 210000 : i32
      %dma_start3A_67 = tpu.memref_slice %arg2[%dma_start3A_66] : memref<240000xf32, #tpu.memory_space<hbm>> -> memref<30000xf32, #tpu.memory_space<hbm>>
      %dma_start3A_68 = arith.constant 210000 : i32
      %dma_start3A_69 = tpu.memref_slice %arg2[%dma_start3A_68] : memref<240000xf32, #tpu.memory_space<hbm>> -> memref<30000xf32, #tpu.memory_space<hbm>>
      tpu.enqueue_dma source(%dma_start3A_69 : memref<30000xf32, #tpu.memory_space<hbm>>) target(%arg8 : memref<30000xf32, #tpu.memory_space<vmem>>) target_semaphore(%run_scoped3A : memref<!tpu.dma_semaphore, #tpu.memory_space<semaphore_mem>>)
      %dma_wait3A = arith.constant 210000 : i32
      %dma_wait3A_70 = tpu.memref_slice %arg2[%dma_wait3A] : memref<240000xf32, #tpu.memory_space<hbm>> -> memref<30000xf32, #tpu.memory_space<hbm>>
      %dma_wait3A_71 = arith.constant 210000 : i32
      %dma_wait3A_72 = tpu.memref_slice %arg2[%dma_wait3A_71] : memref<240000xf32, #tpu.memory_space<hbm>> -> memref<30000xf32, #tpu.memory_space<hbm>>
      tpu.wait_dma2 semaphore(%run_scoped3A : memref<!tpu.dma_semaphore, #tpu.memory_space<semaphore_mem>>) src(%dma_wait3A_72 : memref<30000xf32, #tpu.memory_space<hbm>>) dst(%arg8 : memref<30000xf32, #tpu.memory_space<vmem>>)
      tpu.yield
    }) : () -> ()
    "tpu.region"() ({
      %run_scoped3A = tpu.sem_alloc : memref<!tpu.dma_semaphore, #tpu.memory_space<semaphore_mem>>
      tpu.enqueue_dma source(%arg3 : memref<10000xf32, #tpu.memory_space<hbm>>) target(%arg9 : memref<10000xf32, #tpu.memory_space<vmem>>) target_semaphore(%run_scoped3A : memref<!tpu.dma_semaphore, #tpu.memory_space<semaphore_mem>>)
      tpu.wait_dma2 semaphore(%run_scoped3A : memref<!tpu.dma_semaphore, #tpu.memory_space<semaphore_mem>>) src(%arg3 : memref<10000xf32, #tpu.memory_space<hbm>>) dst(%arg9 : memref<10000xf32, #tpu.memory_space<vmem>>)
      tpu.yield
    }) : () -> ()
    "tpu.region"() ({
      %run_scoped3A = tpu.sem_alloc : memref<!tpu.dma_semaphore, #tpu.memory_space<semaphore_mem>>
      tpu.enqueue_dma source(%arg4 : memref<10000xf32, #tpu.memory_space<hbm>>) target(%arg10 : memref<10000xf32, #tpu.memory_space<vmem>>) target_semaphore(%run_scoped3A : memref<!tpu.dma_semaphore, #tpu.memory_space<semaphore_mem>>)
      tpu.wait_dma2 semaphore(%run_scoped3A : memref<!tpu.dma_semaphore, #tpu.memory_space<semaphore_mem>>) src(%arg4 : memref<10000xf32, #tpu.memory_space<hbm>>) dst(%arg10 : memref<10000xf32, #tpu.memory_space<vmem>>)
      tpu.yield
    }) : () -> ()
    %mul3A_35 = arith.constant 80000 : i32
    %mul3A_36 = arith.muli %select_n3A, %mul3A_35 : i32
    %add3A_37 = arith.constant 0 : i32
    %add3A_38 = arith.addi %mul3A_36, %add3A_37 : i32
    %dma_start3A = tpu.memref_slice %arg5[%add3A_38] : memref<640000xi32, #tpu.memory_space<hbm>> -> memref<8000xi32, #tpu.memory_space<hbm>>
    %dma_start3A_39 = tpu.memref_slice %arg5[%add3A_38] : memref<640000xi32, #tpu.memory_space<hbm>> -> memref<8000xi32, #tpu.memory_space<hbm>>
    tpu.enqueue_dma source(%dma_start3A_39 : memref<8000xi32, #tpu.memory_space<hbm>>) target(%arg11 : memref<8000xi32, #tpu.memory_space<vmem>>) target_semaphore(%arg15 : memref<!tpu.dma_semaphore, #tpu.memory_space<semaphore_mem>>)
    %add3A_40 = arith.constant 320000 : i32
    %add3A_41 = arith.addi %add3A_40, %mul3A_36 : i32
    %add3A_42 = arith.constant 0 : i32
    %add3A_43 = arith.addi %add3A_41, %add3A_42 : i32
    %dma_start3A_44 = tpu.memref_slice %arg5[%add3A_43] : memref<640000xi32, #tpu.memory_space<hbm>> -> memref<8000xi32, #tpu.memory_space<hbm>>
    %dma_start3A_45 = tpu.memref_slice %arg5[%add3A_43] : memref<640000xi32, #tpu.memory_space<hbm>> -> memref<8000xi32, #tpu.memory_space<hbm>>
    tpu.enqueue_dma source(%dma_start3A_45 : memref<8000xi32, #tpu.memory_space<hbm>>) target(%arg13 : memref<8000xi32, #tpu.memory_space<vmem>>) target_semaphore(%arg15 : memref<!tpu.dma_semaphore, #tpu.memory_space<semaphore_mem>>)
    %add3A_46 = arith.constant 8000 : i32
    %add3A_47 = arith.addi %mul3A_36, %add3A_46 : i32
    %dma_start3A_48 = tpu.memref_slice %arg5[%add3A_47] : memref<640000xi32, #tpu.memory_space<hbm>> -> memref<8000xi32, #tpu.memory_space<hbm>>
    %dma_start3A_49 = tpu.memref_slice %arg5[%add3A_47] : memref<640000xi32, #tpu.memory_space<hbm>> -> memref<8000xi32, #tpu.memory_space<hbm>>
    tpu.enqueue_dma source(%dma_start3A_49 : memref<8000xi32, #tpu.memory_space<hbm>>) target(%arg12 : memref<8000xi32, #tpu.memory_space<vmem>>) target_semaphore(%arg16 : memref<!tpu.dma_semaphore, #tpu.memory_space<semaphore_mem>>)
    %add3A_50 = arith.constant 320000 : i32
    %add3A_51 = arith.addi %add3A_50, %mul3A_36 : i32
    %add3A_52 = arith.constant 8000 : i32
    %add3A_53 = arith.addi %add3A_51, %add3A_52 : i32
    %dma_start3A_54 = tpu.memref_slice %arg5[%add3A_53] : memref<640000xi32, #tpu.memory_space<hbm>> -> memref<8000xi32, #tpu.memory_space<hbm>>
    %dma_start3A_55 = tpu.memref_slice %arg5[%add3A_53] : memref<640000xi32, #tpu.memory_space<hbm>> -> memref<8000xi32, #tpu.memory_space<hbm>>
    tpu.enqueue_dma source(%dma_start3A_55 : memref<8000xi32, #tpu.memory_space<hbm>>) target(%arg14 : memref<8000xi32, #tpu.memory_space<vmem>>) target_semaphore(%arg16 : memref<!tpu.dma_semaphore, #tpu.memory_space<semaphore_mem>>)
    %scan3A = arith.constant 0 : i32
    %scan3A_56 = arith.constant 0 : i32
    %scan3A_57 = arith.constant 5 : i32
    %scan3A_58 = arith.addi %scan3A_56, %scan3A_57 : i32
    %scan3A_59 = arith.constant 1 : i32
    %scan3A_60 = scf.for %scan3A_66 = %scan3A_56 to %scan3A_58 step %scan3A_59 iter_args(%scan3A_67 = %scan3A) -> (i32)  : i32 {
      %mul3A_68 = arith.constant 2 : i32
      %mul3A_69 = arith.muli %scan3A_66, %mul3A_68 : i32
      %add3A_70 = arith.constant 0 : i32
      %add3A_71 = arith.addi %mul3A_69, %add3A_70 : i32
      %dma_wait3A = tpu.memref_slice %arg5[%mul3A_36] : memref<640000xi32, #tpu.memory_space<hbm>> -> memref<8000xi32, #tpu.memory_space<hbm>>
      %dma_wait3A_72 = tpu.memref_slice %arg5[%mul3A_36] : memref<640000xi32, #tpu.memory_space<hbm>> -> memref<8000xi32, #tpu.memory_space<hbm>>
      tpu.wait_dma2 semaphore(%arg15 : memref<!tpu.dma_semaphore, #tpu.memory_space<semaphore_mem>>) src(%dma_wait3A_72 : memref<8000xi32, #tpu.memory_space<hbm>>) dst(%arg11 : memref<8000xi32, #tpu.memory_space<vmem>>)
      %add3A_73 = arith.constant 320000 : i32
      %add3A_74 = arith.addi %add3A_73, %mul3A_36 : i32
      %dma_wait3A_75 = tpu.memref_slice %arg5[%add3A_74] : memref<640000xi32, #tpu.memory_space<hbm>> -> memref<8000xi32, #tpu.memory_space<hbm>>
      %dma_wait3A_76 = tpu.memref_slice %arg5[%add3A_74] : memref<640000xi32, #tpu.memory_space<hbm>> -> memref<8000xi32, #tpu.memory_space<hbm>>
      tpu.wait_dma2 semaphore(%arg15 : memref<!tpu.dma_semaphore, #tpu.memory_space<semaphore_mem>>) src(%dma_wait3A_76 : memref<8000xi32, #tpu.memory_space<hbm>>) dst(%arg13 : memref<8000xi32, #tpu.memory_space<vmem>>)
      %parallel_loop3A = arith.constant 0 : i32
      %parallel_loop3A_77 = arith.constant 8000 : i32
      %parallel_loop3A_78 = arith.constant 16 : i32
      scf.for %parallel_loop3A_105 = %parallel_loop3A to %parallel_loop3A_77 step %parallel_loop3A_78  : i32 {
        %parallel_loop3A_106 = arith.index_cast %parallel_loop3A_105 : i32 to index
        %parallel_loop3A_107 = tpu.vector_load %arg11[%parallel_loop3A_106] {strides = array<i32>} : memref<8000xi32, #tpu.memory_space<vmem>>, vector<16xi32>,
        %parallel_loop3A_108 = arith.index_cast %parallel_loop3A_105 : i32 to index
        %parallel_loop3A_109 = tpu.vector_load %arg13[%parallel_loop3A_108] {strides = array<i32>} : memref<8000xi32, #tpu.memory_space<vmem>>, vector<16xi32>,
        %parallel_loop3A_110 = tpu.vector_load_idx %arg9[%parallel_loop3A_107] : memref<10000xf32, #tpu.memory_space<vmem>>[vector<16xi32>], vector<16xf32>,
        %parallel_loop3A_111 = tpu.vector_load_idx %arg10[%parallel_loop3A_109] : memref<10000xf32, #tpu.memory_space<vmem>>[vector<16xi32>], vector<16xf32>,
        %parallel_loop3A_112 = arith.addf %parallel_loop3A_110, %parallel_loop3A_111 : vector<16xf32>
        %parallel_loop3A_113 = arith.constant 2.000000e-01 : f32
        %parallel_loop3A_114 = vector.broadcast %parallel_loop3A_113 : f32 to vector<16xf32>
        %parallel_loop3A_115 = arith.mulf %parallel_loop3A_114, %parallel_loop3A_112 : vector<16xf32>
        %parallel_loop3A_116 = arith.maximumf %parallel_loop3A_112, %parallel_loop3A_115 : vector<16xf32>
        %parallel_loop3A_117 = math.exp %parallel_loop3A_116 : vector<16xf32>
        %parallel_loop3A_118 = arith.constant 0 : i32
        %parallel_loop3A_119 = vector.broadcast %parallel_loop3A_118 : i32 to vector<16xi32>
        %parallel_loop3A_120 = arith.addi %parallel_loop3A_107, %parallel_loop3A_119 : vector<16xi32>
        %parallel_loop3A_121 = tpu.vector_load_idx %arg7[%parallel_loop3A_120] : memref<30000xf32, #tpu.memory_space<vmem>>[vector<16xi32>], vector<16xf32>,
        %parallel_loop3A_122 = arith.constant 0 : i32
        %parallel_loop3A_123 = vector.broadcast %parallel_loop3A_122 : i32 to vector<16xi32>
        %parallel_loop3A_124 = arith.addi %parallel_loop3A_109, %parallel_loop3A_123 : vector<16xi32>
        %parallel_loop3A_125 = arith.mulf %parallel_loop3A_121, %parallel_loop3A_117 : vector<16xf32>
        tpu.vector_store_idx %arg8[%parallel_loop3A_124], %parallel_loop3A_125 {add = true} : memref<30000xf32, #tpu.memory_space<vmem>>[vector<16xi32>], vector<16xf32>,
        %parallel_loop3A_126 = arith.constant 10000 : i32
        %parallel_loop3A_127 = vector.broadcast %parallel_loop3A_126 : i32 to vector<16xi32>
        %parallel_loop3A_128 = arith.addi %parallel_loop3A_107, %parallel_loop3A_127 : vector<16xi32>
        %parallel_loop3A_129 = tpu.vector_load_idx %arg7[%parallel_loop3A_128] : memref<30000xf32, #tpu.memory_space<vmem>>[vector<16xi32>], vector<16xf32>,
        %parallel_loop3A_130 = arith.constant 10000 : i32
        %parallel_loop3A_131 = vector.broadcast %parallel_loop3A_130 : i32 to vector<16xi32>
        %parallel_loop3A_132 = arith.addi %parallel_loop3A_109, %parallel_loop3A_131 : vector<16xi32>
        %parallel_loop3A_133 = arith.mulf %parallel_loop3A_129, %parallel_loop3A_117 : vector<16xf32>
        tpu.vector_store_idx %arg8[%parallel_loop3A_132], %parallel_loop3A_133 {add = true} : memref<30000xf32, #tpu.memory_space<vmem>>[vector<16xi32>], vector<16xf32>,
        %parallel_loop3A_134 = arith.constant 20000 : i32
        %parallel_loop3A_135 = vector.broadcast %parallel_loop3A_134 : i32 to vector<16xi32>
        %parallel_loop3A_136 = arith.addi %parallel_loop3A_107, %parallel_loop3A_135 : vector<16xi32>
        %parallel_loop3A_137 = tpu.vector_load_idx %arg7[%parallel_loop3A_136] : memref<30000xf32, #tpu.memory_space<vmem>>[vector<16xi32>], vector<16xf32>,
        %parallel_loop3A_138 = arith.constant 20000 : i32
        %parallel_loop3A_139 = vector.broadcast %parallel_loop3A_138 : i32 to vector<16xi32>
        %parallel_loop3A_140 = arith.addi %parallel_loop3A_109, %parallel_loop3A_139 : vector<16xi32>
        %parallel_loop3A_141 = arith.mulf %parallel_loop3A_137, %parallel_loop3A_117 : vector<16xf32>
        tpu.vector_store_idx %arg8[%parallel_loop3A_140], %parallel_loop3A_141 {add = true} : memref<30000xf32, #tpu.memory_space<vmem>>[vector<16xi32>], vector<16xf32>,
      } {sc.loop_unroll_factor = 4 : i64, sc.parallel_access}
      %add3A_79 = arith.constant 2 : i32
      %add3A_80 = arith.addi %add3A_71, %add3A_79 : i32
      %lt3A_81 = arith.constant 10 : i32
      %lt3A_82 = arith.cmpi slt, %add3A_80, %lt3A_81 : i32
      %convert_element_type3A = arith.extui %lt3A_82 : i1 to i32
      %cond3A = arith.constant 0 : i32
      %cond3A_83 = arith.cmpi ne, %convert_element_type3A, %cond3A : i32
      scf.if %cond3A_83 {
        %add3A_105 = arith.constant 2 : i32
        %add3A_106 = arith.addi %add3A_71, %add3A_105 : i32
        %mul3A_107 = arith.constant 8000 : i32
        %mul3A_108 = arith.muli %add3A_106, %mul3A_107 : i32
        %add3A_109 = arith.addi %mul3A_36, %mul3A_108 : i32
        %dma_start3A_110 = tpu.memref_slice %arg5[%add3A_109] : memref<640000xi32, #tpu.memory_space<hbm>> -> memref<8000xi32, #tpu.memory_space<hbm>>
        %dma_start3A_111 = tpu.memref_slice %arg5[%add3A_109] : memref<640000xi32, #tpu.memory_space<hbm>> -> memref<8000xi32, #tpu.memory_space<hbm>>
        tpu.enqueue_dma source(%dma_start3A_111 : memref<8000xi32, #tpu.memory_space<hbm>>) target(%arg11 : memref<8000xi32, #tpu.memory_space<vmem>>) target_semaphore(%arg15 : memref<!tpu.dma_semaphore, #tpu.memory_space<semaphore_mem>>)
        %add3A_112 = arith.constant 320000 : i32
        %add3A_113 = arith.addi %add3A_112, %mul3A_36 : i32
        %mul3A_114 = arith.constant 8000 : i32
        %mul3A_115 = arith.muli %add3A_106, %mul3A_114 : i32
        %add3A_116 = arith.addi %add3A_113, %mul3A_115 : i32
        %dma_start3A_117 = tpu.memref_slice %arg5[%add3A_116] : memref<640000xi32, #tpu.memory_space<hbm>> -> memref<8000xi32, #tpu.memory_space<hbm>>
        %dma_start3A_118 = tpu.memref_slice %arg5[%add3A_116] : memref<640000xi32, #tpu.memory_space<hbm>> -> memref<8000xi32, #tpu.memory_space<hbm>>
        tpu.enqueue_dma source(%dma_start3A_118 : memref<8000xi32, #tpu.memory_space<hbm>>) target(%arg13 : memref<8000xi32, #tpu.memory_space<vmem>>) target_semaphore(%arg15 : memref<!tpu.dma_semaphore, #tpu.memory_space<semaphore_mem>>)
      } else {
      }
      %mul3A_84 = arith.constant 2 : i32
      %mul3A_85 = arith.muli %scan3A_66, %mul3A_84 : i32
      %add3A_86 = arith.constant 1 : i32
      %add3A_87 = arith.addi %mul3A_85, %add3A_86 : i32
      %dma_wait3A_88 = tpu.memref_slice %arg5[%mul3A_36] : memref<640000xi32, #tpu.memory_space<hbm>> -> memref<8000xi32, #tpu.memory_space<hbm>>
      %dma_wait3A_89 = tpu.memref_slice %arg5[%mul3A_36] : memref<640000xi32, #tpu.memory_space<hbm>> -> memref<8000xi32, #tpu.memory_space<hbm>>
      tpu.wait_dma2 semaphore(%arg16 : memref<!tpu.dma_semaphore, #tpu.memory_space<semaphore_mem>>) src(%dma_wait3A_89 : memref<8000xi32, #tpu.memory_space<hbm>>) dst(%arg12 : memref<8000xi32, #tpu.memory_space<vmem>>)
      %add3A_90 = arith.constant 320000 : i32
      %add3A_91 = arith.addi %add3A_90, %mul3A_36 : i32
      %dma_wait3A_92 = tpu.memref_slice %arg5[%add3A_91] : memref<640000xi32, #tpu.memory_space<hbm>> -> memref<8000xi32, #tpu.memory_space<hbm>>
      %dma_wait3A_93 = tpu.memref_slice %arg5[%add3A_91] : memref<640000xi32, #tpu.memory_space<hbm>> -> memref<8000xi32, #tpu.memory_space<hbm>>
      tpu.wait_dma2 semaphore(%arg16 : memref<!tpu.dma_semaphore, #tpu.memory_space<semaphore_mem>>) src(%dma_wait3A_93 : memref<8000xi32, #tpu.memory_space<hbm>>) dst(%arg14 : memref<8000xi32, #tpu.memory_space<vmem>>)
      %parallel_loop3A_94 = arith.constant 0 : i32
      %parallel_loop3A_95 = arith.constant 8000 : i32
      %parallel_loop3A_96 = arith.constant 16 : i32
      scf.for %parallel_loop3A_105 = %parallel_loop3A_94 to %parallel_loop3A_95 step %parallel_loop3A_96  : i32 {
        %parallel_loop3A_106 = arith.index_cast %parallel_loop3A_105 : i32 to index
        %parallel_loop3A_107 = tpu.vector_load %arg12[%parallel_loop3A_106] {strides = array<i32>} : memref<8000xi32, #tpu.memory_space<vmem>>, vector<16xi32>,
        %parallel_loop3A_108 = arith.index_cast %parallel_loop3A_105 : i32 to index
        %parallel_loop3A_109 = tpu.vector_load %arg14[%parallel_loop3A_108] {strides = array<i32>} : memref<8000xi32, #tpu.memory_space<vmem>>, vector<16xi32>,
        %parallel_loop3A_110 = tpu.vector_load_idx %arg9[%parallel_loop3A_107] : memref<10000xf32, #tpu.memory_space<vmem>>[vector<16xi32>], vector<16xf32>,
        %parallel_loop3A_111 = tpu.vector_load_idx %arg10[%parallel_loop3A_109] : memref<10000xf32, #tpu.memory_space<vmem>>[vector<16xi32>], vector<16xf32>,
        %parallel_loop3A_112 = arith.addf %parallel_loop3A_110, %parallel_loop3A_111 : vector<16xf32>
        %parallel_loop3A_113 = arith.constant 2.000000e-01 : f32
        %parallel_loop3A_114 = vector.broadcast %parallel_loop3A_113 : f32 to vector<16xf32>
        %parallel_loop3A_115 = arith.mulf %parallel_loop3A_114, %parallel_loop3A_112 : vector<16xf32>
        %parallel_loop3A_116 = arith.maximumf %parallel_loop3A_112, %parallel_loop3A_115 : vector<16xf32>
        %parallel_loop3A_117 = math.exp %parallel_loop3A_116 : vector<16xf32>
        %parallel_loop3A_118 = arith.constant 0 : i32
        %parallel_loop3A_119 = vector.broadcast %parallel_loop3A_118 : i32 to vector<16xi32>
        %parallel_loop3A_120 = arith.addi %parallel_loop3A_107, %parallel_loop3A_119 : vector<16xi32>
        %parallel_loop3A_121 = tpu.vector_load_idx %arg7[%parallel_loop3A_120] : memref<30000xf32, #tpu.memory_space<vmem>>[vector<16xi32>], vector<16xf32>,
        %parallel_loop3A_122 = arith.constant 0 : i32
        %parallel_loop3A_123 = vector.broadcast %parallel_loop3A_122 : i32 to vector<16xi32>
        %parallel_loop3A_124 = arith.addi %parallel_loop3A_109, %parallel_loop3A_123 : vector<16xi32>
        %parallel_loop3A_125 = arith.mulf %parallel_loop3A_121, %parallel_loop3A_117 : vector<16xf32>
        tpu.vector_store_idx %arg8[%parallel_loop3A_124], %parallel_loop3A_125 {add = true} : memref<30000xf32, #tpu.memory_space<vmem>>[vector<16xi32>], vector<16xf32>,
        %parallel_loop3A_126 = arith.constant 10000 : i32
        %parallel_loop3A_127 = vector.broadcast %parallel_loop3A_126 : i32 to vector<16xi32>
        %parallel_loop3A_128 = arith.addi %parallel_loop3A_107, %parallel_loop3A_127 : vector<16xi32>
        %parallel_loop3A_129 = tpu.vector_load_idx %arg7[%parallel_loop3A_128] : memref<30000xf32, #tpu.memory_space<vmem>>[vector<16xi32>], vector<16xf32>,
        %parallel_loop3A_130 = arith.constant 10000 : i32
        %parallel_loop3A_131 = vector.broadcast %parallel_loop3A_130 : i32 to vector<16xi32>
        %parallel_loop3A_132 = arith.addi %parallel_loop3A_109, %parallel_loop3A_131 : vector<16xi32>
        %parallel_loop3A_133 = arith.mulf %parallel_loop3A_129, %parallel_loop3A_117 : vector<16xf32>
        tpu.vector_store_idx %arg8[%parallel_loop3A_132], %parallel_loop3A_133 {add = true} : memref<30000xf32, #tpu.memory_space<vmem>>[vector<16xi32>], vector<16xf32>,
        %parallel_loop3A_134 = arith.constant 20000 : i32
        %parallel_loop3A_135 = vector.broadcast %parallel_loop3A_134 : i32 to vector<16xi32>
        %parallel_loop3A_136 = arith.addi %parallel_loop3A_107, %parallel_loop3A_135 : vector<16xi32>
        %parallel_loop3A_137 = tpu.vector_load_idx %arg7[%parallel_loop3A_136] : memref<30000xf32, #tpu.memory_space<vmem>>[vector<16xi32>], vector<16xf32>,
        %parallel_loop3A_138 = arith.constant 20000 : i32
        %parallel_loop3A_139 = vector.broadcast %parallel_loop3A_138 : i32 to vector<16xi32>
        %parallel_loop3A_140 = arith.addi %parallel_loop3A_109, %parallel_loop3A_139 : vector<16xi32>
        %parallel_loop3A_141 = arith.mulf %parallel_loop3A_137, %parallel_loop3A_117 : vector<16xf32>
        tpu.vector_store_idx %arg8[%parallel_loop3A_140], %parallel_loop3A_141 {add = true} : memref<30000xf32, #tpu.memory_space<vmem>>[vector<16xi32>], vector<16xf32>,
      } {sc.loop_unroll_factor = 4 : i64, sc.parallel_access}
      %add3A_97 = arith.constant 2 : i32
      %add3A_98 = arith.addi %add3A_87, %add3A_97 : i32
      %lt3A_99 = arith.constant 10 : i32
      %lt3A_100 = arith.cmpi slt, %add3A_98, %lt3A_99 : i32
      %convert_element_type3A_101 = arith.extui %lt3A_100 : i1 to i32
      %cond3A_102 = arith.constant 0 : i32
      %cond3A_103 = arith.cmpi ne, %convert_element_type3A_101, %cond3A_102 : i32
      scf.if %cond3A_103 {
        %add3A_105 = arith.constant 2 : i32
        %add3A_106 = arith.addi %add3A_87, %add3A_105 : i32
        %mul3A_107 = arith.constant 8000 : i32
        %mul3A_108 = arith.muli %add3A_106, %mul3A_107 : i32
        %add3A_109 = arith.addi %mul3A_36, %mul3A_108 : i32
        %dma_start3A_110 = tpu.memref_slice %arg5[%add3A_109] : memref<640000xi32, #tpu.memory_space<hbm>> -> memref<8000xi32, #tpu.memory_space<hbm>>
        %dma_start3A_111 = tpu.memref_slice %arg5[%add3A_109] : memref<640000xi32, #tpu.memory_space<hbm>> -> memref<8000xi32, #tpu.memory_space<hbm>>
        tpu.enqueue_dma source(%dma_start3A_111 : memref<8000xi32, #tpu.memory_space<hbm>>) target(%arg12 : memref<8000xi32, #tpu.memory_space<vmem>>) target_semaphore(%arg16 : memref<!tpu.dma_semaphore, #tpu.memory_space<semaphore_mem>>)
        %add3A_112 = arith.constant 320000 : i32
        %add3A_113 = arith.addi %add3A_112, %mul3A_36 : i32
        %mul3A_114 = arith.constant 8000 : i32
        %mul3A_115 = arith.muli %add3A_106, %mul3A_114 : i32
        %add3A_116 = arith.addi %add3A_113, %mul3A_115 : i32
        %dma_start3A_117 = tpu.memref_slice %arg5[%add3A_116] : memref<640000xi32, #tpu.memory_space<hbm>> -> memref<8000xi32, #tpu.memory_space<hbm>>
        %dma_start3A_118 = tpu.memref_slice %arg5[%add3A_116] : memref<640000xi32, #tpu.memory_space<hbm>> -> memref<8000xi32, #tpu.memory_space<hbm>>
        tpu.enqueue_dma source(%dma_start3A_118 : memref<8000xi32, #tpu.memory_space<hbm>>) target(%arg14 : memref<8000xi32, #tpu.memory_space<vmem>>) target_semaphore(%arg16 : memref<!tpu.dma_semaphore, #tpu.memory_space<semaphore_mem>>)
      } else {
      }
      %scan3A_104 = arith.constant 0 : i32
      scf.yield %scan3A_104 : i32
    }
    %scan3A_61 = arith.constant 5 : i32
    %mul3A_62 = arith.constant 3 : i32
    %mul3A_63 = arith.muli %add3A, %mul3A_62 : i32
    %mul3A_64 = arith.constant 10000 : i32
    %mul3A_65 = arith.muli %mul3A_63, %mul3A_64 : i32
    "tpu.region"() ({
      %run_scoped3A = tpu.sem_alloc : memref<!tpu.dma_semaphore, #tpu.memory_space<semaphore_mem>>
      %dma_start3A_66 = tpu.memref_slice %arg6[%mul3A_65] : memref<960000xf32, #tpu.memory_space<hbm>> -> memref<30000xf32, #tpu.memory_space<hbm>>
      %dma_start3A_67 = tpu.memref_slice %arg6[%mul3A_65] : memref<960000xf32, #tpu.memory_space<hbm>> -> memref<30000xf32, #tpu.memory_space<hbm>>
      tpu.enqueue_dma source(%arg8 : memref<30000xf32, #tpu.memory_space<vmem>>) target(%dma_start3A_67 : memref<30000xf32, #tpu.memory_space<hbm>>) target_semaphore(%run_scoped3A : memref<!tpu.dma_semaphore, #tpu.memory_space<semaphore_mem>>)
      %dma_wait3A = tpu.memref_slice %arg6[%mul3A_65] : memref<960000xf32, #tpu.memory_space<hbm>> -> memref<30000xf32, #tpu.memory_space<hbm>>
      %dma_wait3A_68 = tpu.memref_slice %arg6[%mul3A_65] : memref<960000xf32, #tpu.memory_space<hbm>> -> memref<30000xf32, #tpu.memory_space<hbm>>
      tpu.wait_dma2 semaphore(%run_scoped3A : memref<!tpu.dma_semaphore, #tpu.memory_space<semaphore_mem>>) src(%arg8 : memref<30000xf32, #tpu.memory_space<vmem>>) dst(%dma_wait3A_68 : memref<30000xf32, #tpu.memory_space<hbm>>)
      tpu.yield
    }) : () -> ()
    return
  }
}

module attributes {stable_mosaic.version = 14 : i64} {
  func.func @_stack_body(%arg0: memref<2x320000xi32, #tpu.memory_space<vmem>>, %arg1: memref<2x330000xi32, #tpu.memory_space<vmem>>, %arg2: memref<1x330000xf32, #tpu.memory_space<vmem>>) attributes {dimension_semantics = [], scalar_prefetch = 0 : i64, scratch_operands = 0 : i64, tpu.core_type = #tpu.core_type<tc>} {
    %get3A = arith.constant 0 : index
    %get3A_0 = arith.constant 0 : index
    %get3A_1 = vector.load %arg0[%get3A, %get3A_0] : memref<2x320000xi32, #tpu.memory_space<vmem>>, vector<2x320000xi32>
    %swap3A = arith.constant 0 : index
    %swap3A_2 = arith.constant 0 : index
    %swap3A_3 = vector.load %arg1[%swap3A, %swap3A_2] : memref<2x330000xi32, #tpu.memory_space<vmem>>, vector<2x320000xi32>
    tpu.vector_store %arg1[%swap3A, %swap3A_2], %get3A_1 {strides = array<i32>} : memref<2x330000xi32, #tpu.memory_space<vmem>>, vector<2x320000xi32>,
    %iota3A = tpu.iota {dimensions = array<i32: 1>} : vector<2x10000xi32>
    %swap3A_4 = arith.constant 0 : index
    %swap3A_5 = arith.constant 320000 : index
    %swap3A_6 = vector.load %arg1[%swap3A_4, %swap3A_5] : memref<2x330000xi32, #tpu.memory_space<vmem>>, vector<2x10000xi32>
    tpu.vector_store %arg1[%swap3A_4, %swap3A_5], %iota3A {strides = array<i32>} : memref<2x330000xi32, #tpu.memory_space<vmem>>, vector<2x10000xi32>,
    %broadcast_in_dim3A = arith.constant 1.000000e+00 : f32
    %broadcast_in_dim3A_7 = vector.broadcast %broadcast_in_dim3A : f32 to vector<1x330000xf32>
    %swap3A_8 = arith.constant 0 : index
    %swap3A_9 = arith.constant 0 : index
    %swap3A_10 = vector.load %arg2[%swap3A_8, %swap3A_9] : memref<1x330000xf32, #tpu.memory_space<vmem>>, vector<1x330000xf32>
    tpu.vector_store %arg2[%swap3A_8, %swap3A_9], %broadcast_in_dim3A_7 {strides = array<i32>} : memref<1x330000xf32, #tpu.memory_space<vmem>>, vector<1x330000xf32>,
    return
  }
}

module attributes {stable_mosaic.version = 14 : i64} {
  func.func @_pre_body(%arg0: memref<10000x128xf32, #tpu.memory_space<vmem>>, %arg1: memref<20x128xf32, #tpu.memory_space<vmem>>, %arg2: memref<1x20xf32, #tpu.memory_space<vmem>>, %arg3: memref<1x20xf32, #tpu.memory_space<vmem>>, %arg4: memref<24x10000xf32, #tpu.memory_space<vmem>>, %arg5: memref<10000xf32, #tpu.memory_space<vmem>>, %arg6: memref<10000xf32, #tpu.memory_space<vmem>>, %arg7: memref<1x10000xf32, #tpu.memory_space<vmem>>) attributes {dimension_semantics = [], scalar_prefetch = 0 : i64, scratch_operands = 0 : i64, tpu.core_type = #tpu.core_type<tc>} {
    %get3A = arith.constant 0 : index
    %get3A_0 = arith.constant 0 : index
    %get3A_1 = vector.load %arg1[%get3A, %get3A_0] : memref<20x128xf32, #tpu.memory_space<vmem>>, vector<20x128xf32>
    %get3A_2 = arith.constant 0 : index
    %get3A_3 = arith.constant 0 : index
    %get3A_4 = vector.load %arg0[%get3A_2, %get3A_3] : memref<10000x128xf32, #tpu.memory_space<vmem>>, vector<10000x128xf32>
    %dot_general3A = arith.constant dense<0.000000e+00> : vector<20x10000xf32>
    %dot_general3A_5 = tpu.matmul %get3A_1, %get3A_4, %dot_general3A {dimension_numbers = #tpu.dot_dimension_numbers<[1], [1], [0], [0], [0, 0, 1, 0], [], []>, transpose_lhs_hint = false} : vector<20x128xf32>, vector<10000x128xf32>, vector<20x10000xf32> -> vector<20x10000xf32>
    %swap3A = arith.constant 0 : index
    %swap3A_6 = arith.constant 0 : index
    %swap3A_7 = vector.load %arg4[%swap3A, %swap3A_6] : memref<24x10000xf32, #tpu.memory_space<vmem>>, vector<20x10000xf32>
    tpu.vector_store %arg4[%swap3A, %swap3A_6], %dot_general3A_5 {strides = array<i32>} : memref<24x10000xf32, #tpu.memory_space<vmem>>, vector<20x10000xf32>,
    %broadcast_in_dim3A = arith.constant 1.000000e+00 : f32
    %broadcast_in_dim3A_8 = vector.broadcast %broadcast_in_dim3A : f32 to vector<1x10000xf32>
    %swap3A_9 = arith.constant 20 : index
    %swap3A_10 = arith.constant 0 : index
    %swap3A_11 = vector.load %arg4[%swap3A_9, %swap3A_10] : memref<24x10000xf32, #tpu.memory_space<vmem>>, vector<1x10000xf32>
    tpu.vector_store %arg4[%swap3A_9, %swap3A_10], %broadcast_in_dim3A_8 {strides = array<i32>} : memref<24x10000xf32, #tpu.memory_space<vmem>>, vector<1x10000xf32>,
    %broadcast_in_dim3A_12 = arith.constant 0.000000e+00 : f32
    %broadcast_in_dim3A_13 = vector.broadcast %broadcast_in_dim3A_12 : f32 to vector<3x10000xf32>
    %swap3A_14 = arith.constant 21 : index
    %swap3A_15 = arith.constant 0 : index
    %swap3A_16 = vector.load %arg4[%swap3A_14, %swap3A_15] : memref<24x10000xf32, #tpu.memory_space<vmem>>, vector<3x10000xf32>
    tpu.vector_store %arg4[%swap3A_14, %swap3A_15], %broadcast_in_dim3A_13 {strides = array<i32>} : memref<24x10000xf32, #tpu.memory_space<vmem>>, vector<3x10000xf32>,
    %get3A_17 = arith.constant 0 : index
    %get3A_18 = arith.constant 0 : index
    %get3A_19 = vector.load %arg2[%get3A_17, %get3A_18] : memref<1x20xf32, #tpu.memory_space<vmem>>, vector<1x20xf32>
    %dot_general3A_20 = arith.constant dense<0.000000e+00> : vector<1x10000xf32>
    %dot_general3A_21 = tpu.matmul %get3A_19, %dot_general3A_5, %dot_general3A_20 {dimension_numbers = #tpu.dot_dimension_numbers<[1], [0], [0], [1], [0, 0, 1, 1], [], []>, transpose_lhs_hint = false} : vector<1x20xf32>, vector<20x10000xf32>, vector<1x10000xf32> -> vector<1x10000xf32>
    %get3A_22 = arith.constant 0 : index
    %get3A_23 = arith.constant 0 : index
    %get3A_24 = vector.load %arg3[%get3A_22, %get3A_23] : memref<1x20xf32, #tpu.memory_space<vmem>>, vector<1x20xf32>
    %dot_general3A_25 = arith.constant dense<0.000000e+00> : vector<1x10000xf32>
    %dot_general3A_26 = tpu.matmul %get3A_24, %dot_general3A_5, %dot_general3A_25 {dimension_numbers = #tpu.dot_dimension_numbers<[1], [0], [0], [1], [0, 0, 1, 1], [], []>, transpose_lhs_hint = false} : vector<1x20xf32>, vector<20x10000xf32>, vector<1x10000xf32> -> vector<1x10000xf32>
    %reshape3A = vector.shape_cast %dot_general3A_21 : vector<1x10000xf32> to vector<10000xf32>
    %swap3A_27 = arith.constant 0 : index
    %swap3A_28 = vector.load %arg5[%swap3A_27] : memref<10000xf32, #tpu.memory_space<vmem>>, vector<10000xf32>
    tpu.vector_store %arg5[%swap3A_27], %reshape3A {strides = array<i32>} : memref<10000xf32, #tpu.memory_space<vmem>>, vector<10000xf32>,
    %reshape3A_29 = vector.shape_cast %dot_general3A_26 : vector<1x10000xf32> to vector<10000xf32>
    %swap3A_30 = arith.constant 0 : index
    %swap3A_31 = vector.load %arg6[%swap3A_30] : memref<10000xf32, #tpu.memory_space<vmem>>, vector<10000xf32>
    tpu.vector_store %arg6[%swap3A_30], %reshape3A_29 {strides = array<i32>} : memref<10000xf32, #tpu.memory_space<vmem>>, vector<10000xf32>,
    %add3A = arith.addf %dot_general3A_21, %dot_general3A_26 : vector<1x10000xf32>
    %mul3A = arith.constant 2.000000e-01 : f32
    %mul3A_32 = vector.broadcast %mul3A : f32 to vector<1x10000xf32>
    %mul3A_33 = arith.mulf %mul3A_32, %add3A : vector<1x10000xf32>
    %max3A = arith.maximumf %add3A, %mul3A_33 : vector<1x10000xf32>
    %exp3A = math.exp %max3A : vector<1x10000xf32>
    %swap3A_34 = arith.constant 0 : index
    %swap3A_35 = arith.constant 0 : index
    %swap3A_36 = vector.load %arg7[%swap3A_34, %swap3A_35] : memref<1x10000xf32, #tpu.memory_space<vmem>>, vector<1x10000xf32>
    tpu.vector_store %arg7[%swap3A_34, %swap3A_35], %exp3A {strides = array<i32>} : memref<1x10000xf32, #tpu.memory_space<vmem>>, vector<1x10000xf32>,
    return
  }
}

module attributes {stable_mosaic.version = 14 : i64} {
  func.func @_combine_body(%arg0: memref<96x10000xf32, #tpu.memory_space<vmem>>, %arg1: memref<24x10000xf32, #tpu.memory_space<vmem>>, %arg2: memref<1x10000xf32, #tpu.memory_space<vmem>>, %arg3: memref<20x1xf32, #tpu.memory_space<vmem>>, %arg4: memref<20x10000xf32, #tpu.memory_space<vmem>>) attributes {dimension_semantics = [], scalar_prefetch = 0 : i64, scratch_operands = 0 : i64, tpu.core_type = #tpu.core_type<tc>} {
    %get3A = arith.constant 0 : index
    %get3A_0 = arith.constant 0 : index
    %get3A_1 = vector.load %arg0[%get3A, %get3A_0] : memref<96x10000xf32, #tpu.memory_space<vmem>>, vector<24x10000xf32>
    %get3A_2 = arith.constant 24 : index
    %get3A_3 = arith.constant 0 : index
    %get3A_4 = vector.load %arg0[%get3A_2, %get3A_3] : memref<96x10000xf32, #tpu.memory_space<vmem>>, vector<24x10000xf32>
    %add3A = arith.addf %get3A_1, %get3A_4 : vector<24x10000xf32>
    %get3A_5 = arith.constant 48 : index
    %get3A_6 = arith.constant 0 : index
    %get3A_7 = vector.load %arg0[%get3A_5, %get3A_6] : memref<96x10000xf32, #tpu.memory_space<vmem>>, vector<24x10000xf32>
    %add3A_8 = arith.addf %add3A, %get3A_7 : vector<24x10000xf32>
    %get3A_9 = arith.constant 72 : index
    %get3A_10 = arith.constant 0 : index
    %get3A_11 = vector.load %arg0[%get3A_9, %get3A_10] : memref<96x10000xf32, #tpu.memory_space<vmem>>, vector<24x10000xf32>
    %add3A_12 = arith.addf %add3A_8, %get3A_11 : vector<24x10000xf32>
    %get3A_13 = arith.constant 0 : index
    %get3A_14 = arith.constant 0 : index
    %get3A_15 = vector.load %arg2[%get3A_13, %get3A_14] : memref<1x10000xf32, #tpu.memory_space<vmem>>, vector<1x10000xf32>
    %slice3A = vector.extract_strided_slice %add3A_12 {offsets = [0, 0], sizes = [20, 10000], strides = [1, 1]} : vector<24x10000xf32> to vector<20x10000xf32>
    %get3A_16 = arith.constant 0 : index
    %get3A_17 = arith.constant 0 : index
    %get3A_18 = vector.load %arg1[%get3A_16, %get3A_17] : memref<24x10000xf32, #tpu.memory_space<vmem>>, vector<20x10000xf32>
    %mul3A = vector.broadcast %get3A_15 : vector<1x10000xf32> to vector<20x10000xf32>
    %mul3A_19 = arith.mulf %mul3A, %get3A_18 : vector<20x10000xf32>
    %add3A_20 = arith.addf %slice3A, %mul3A_19 : vector<20x10000xf32>
    %slice3A_21 = vector.extract_strided_slice %add3A_12 {offsets = [20, 0], sizes = [1, 10000], strides = [1, 1]} : vector<24x10000xf32> to vector<1x10000xf32>
    %add3A_22 = arith.addf %slice3A_21, %get3A_15 : vector<1x10000xf32>
    %add3A_23 = arith.constant 1.000000e-16 : f32
    %add3A_24 = vector.broadcast %add3A_23 : f32 to vector<1x10000xf32>
    %add3A_25 = arith.addf %add3A_22, %add3A_24 : vector<1x10000xf32>
    %div3A = vector.broadcast %add3A_25 : vector<1x10000xf32> to vector<20x10000xf32>
    %div3A_26 = arith.divf %add3A_20, %div3A : vector<20x10000xf32>
    %get3A_27 = arith.constant 0 : index
    %get3A_28 = arith.constant 0 : index
    %get3A_29 = vector.load %arg3[%get3A_27, %get3A_28] : memref<20x1xf32, #tpu.memory_space<vmem>>, vector<20x1xf32>
    %add3A_30 = vector.broadcast %get3A_29 : vector<20x1xf32> to vector<20x10000xf32>
    %add3A_31 = arith.addf %div3A_26, %add3A_30 : vector<20x10000xf32>
    %swap3A = arith.constant 0 : index
    %swap3A_32 = arith.constant 0 : index
    %swap3A_33 = vector.load %arg4[%swap3A, %swap3A_32] : memref<20x10000xf32, #tpu.memory_space<vmem>>, vector<20x10000xf32>
    tpu.vector_store %arg4[%swap3A, %swap3A_32], %add3A_31 {strides = array<i32>} : memref<20x10000xf32, #tpu.memory_space<vmem>>, vector<20x10000xf32>,
    return
  }
}

</mosaic_0001>

<sc_bundles>
// kernel: kernel.6.cloned.1.call-start
scs
__scs_entry_jumppad:
0x0: {  	(pc) =	sbr.rel $0x88, $3  }
0x1: {  	(tag) =	ssettag $0x0;
	lr =	simm.s32 $0x1  }
0x2: {  	[smem:$0x3F9B] =	sst lr;
	_ =	strace $0xD0000000  }
0x3: {  	_ = 	snop  }
0x4: {  	_ = 	snop  }
0x5: {  	_ = 	snop  }
0x6: {  	_ = 	snop  }
0x7: {  	_ = 	snop  }
__scs_overlays_trampoline_lowered:
0x8: {  	[smem:$0x3FAA] =	sst s0  }
0x9: {  	[smem:$0x3FAB] =	sst s1  }
0xa: {  	[smem:$0x3FAC] =	sst s2  }
0xb: {  	[smem:$0x3FAD] =	sst s3  }
0xc: {  	[smem:$0x3FAE] =	sst s4  }
0xd: {  	[smem:$0x3FAF] =	sst s5  }
0xe: {  	[smem:$0x3FB0] =	sst s6  }
0xf: {  	[smem:$0x3FB1] =	sst s7  }
0x10: {  	[smem:$0x3FB2] =	sst s8  }
0x11: {  	[smem:$0x3FB3] =	sst s9;
	s0 =	simm.s32 @!p0 $0x0  }
0x12: {  	s1 =	sld [smem:$0x3F99];
	s0 =	simm.s32 @p0 $0x1  }
0x13: {  	[smem:$0x3FB4] =	sst s0;
	s0 =	simm.s32 @!p1 $0x0  }
0x14: {  	s2 =	sld [smem:$0x3F98];
	s0 =	simm.s32 @p1 $0x1  }
0x15: {  	[smem:$0x3FB5] =	sst s0;
	s0 =	simm.s32 @!p2 $0x0  }
0x16: {  	s3 =	sld [smem:$0x3FDB];
	s0 =	simm.s32 @p2 $0x1  }
0x17: {  	s4 =	simm.s32 $0x1BF5;
	[smem:$0x3FB7] =	sst s0  }
0x18: {  	s0 =	sld [smem:$0x3F9A];
	_ =	swait.ge [sflag:s4], $0x0  }
0x19: {  	s7 =	sld [smem:$0x3F9B]  }
0x1a: {  	s8 =	sadd.s32 $0xFFFFE003, lr  }
0x1b: {  	s9 =	sadd.s32 $0xFFFFFEF7, lr;
	s5 =	simm.s32 $0xFFFFFFFF;
	p2 =	slt.u32 s8, $0xFFFFF086  }
0x1c: {  	p1 =	slt.u32 s9, $0xF7A;
	s5 =	simm.s32 @!p2 $0x0  }
0x1d: {  	s5 =	simm.s32 @p1 $0x1;
	p0 =	seq.s32 s7, s2  }
0x1e: {  	s7 =	smul.u32 @!p0 $0xF7A, s2;
	p2 =	seq.s32 @!p0 s5, $0x0  }
0x1f: {  	s9 =	smul.u32 $0xF7A, s1;
	s8 =	simm.s32 @!p0 $0x1BF5;
	p2 =	por !p2, p0  }
0x20: {  	[sflag:s8] =	ssyncset.s32 @!p0 $0xFFFFF086;
	s6 =	sadd.s32 @!p0 s3, s7;
	s7 =	simm.s32 @!p0 $0x108  }
0x21: {  	s3 =	sadd.s32 s3, s9;
	s6 =	sadd.s32 @!p0 $0x88, s6;
	s7 =	simm.s32 @p2 $0x1082  }
0x22: {  	[simem:s7], [sflag:s8] =	dma.local @!p0 [hbm:s6], $0xF7A  }
0x23: {  	s9 =	sor.u32 $0xD0000000, s2;
	s6 =	simm.s32 $0x108;
	_ =	swait.ge @!p0 [sflag:s8], $0x0  }
0x24: {  	s3 =	sadd.s32 $0x88, s3;
	s6 =	simm.s32 @!p1 $0x1082;
	[sflag:s4] =	ssyncset.s32 $0xFFFFF086  }
0x25: {  	[simem:s6], [sflag:s4] =	dma.local [hbm:s3], $0xF7A  }
0x26: {  	[smem:$0x3F9B] =	sst s1;
	(tag) =	ssettag s2;
	_ =	strace s9  }
0x27: {  	s1 =	sld [smem:$0x3FAB]  }
0x28: {  	s2 =	sld [smem:$0x3FAC]  }
0x29: {  	s4 =	sld [smem:$0x3FAE]  }
0x2a: {  	p0 =	seq.s32 s5, $0x0;
	s5 =	sld [smem:$0x3FAF]  }
0x2b: {  	s6 =	sld [smem:$0x3FB0]  }
0x2c: {  	s7 =	sld [smem:$0x3FB1]  }
0x2d: {  	s3 =	simm.s32 $0x108;
	s8 =	sld [smem:$0x3FB2]  }
0x2e: {  	s3 =	simm.s32 @!p0 $0x1082;
	s9 =	sld [smem:$0x3FB3]  }
0x2f: {  	lr =	sadd.s32 s0, s3;
	s0 =	sld [smem:$0x3FAA]  }
0x30: {  	s3 =	sld [smem:$0x3FAD]  }
0x31: {  	[smem:$0x3FB6] =	sst s10  }
0x32: {  	s10 =	sld [smem:$0x3FB4];
	_ =	sdelay $0x3  }
0x33: {  	p0 =	seq.s32 s10, $0x1;
	s10 =	sld [smem:$0x3FB6];
	_ =	sdelay $0x3  }
0x34: {  	[smem:$0x3FB6] =	sst s10  }
0x35: {  	s10 =	sld [smem:$0x3FB5];
	_ =	sdelay $0x3  }
0x36: {  	p1 =	seq.s32 s10, $0x1;
	s10 =	sld [smem:$0x3FB6];
	_ =	sdelay $0x3  }
0x37: {  	[smem:$0x3FB6] =	sst s10  }
0x38: {  	s10 =	sld [smem:$0x3FB7]  }
0x39: {  	_ = 	snop;
	(pc) =	sbr.ind lr, $3  }
0x3a: {  	_ = 	snop  }
0x3b: {  	_ = 	snop  }
0x3c: {  	p2 =	seq.s32 s10, $0x1;
	s10 =	sld [smem:$0x3FB6]  }
0x3d: {  	_ =	shalt  }
0x3e: {  	_ =	shalt  }
0x3f: {  	_ =	shalt  }
0x40: {  	_ =	shalt  }
0x41: {  	_ =	shalt  }
0x42: {  	_ =	shalt  }
0x43: {  	_ =	shalt  }
0x44: {  	_ =	shalt  }
0x45: {  	_ =	shalt  }
0x46: {  	_ =	shalt  }
0x47: {  	_ =	shalt  }
0x48: {  	_ =	shalt  }
0x49: {  	_ =	shalt  }
0x4a: {  	_ =	shalt  }
0x4b: {  	_ =	shalt  }
0x4c: {  	_ =	shalt  }
0x4d: {  	_ =	shalt  }
0x4e: {  	_ =	shalt  }
0x4f: {  	_ =	shalt  }
0x50: {  	_ =	shalt  }
0x51: {  	_ =	shalt  }
0x52: {  	_ =	shalt  }
0x53: {  	_ =	shalt  }
0x54: {  	_ =	shalt  }
0x55: {  	_ =	shalt  }
0x56: {  	_ =	shalt  }
0x57: {  	_ =	shalt  }
0x58: {  	_ =	shalt  }
0x59: {  	_ =	shalt  }
0x5a: {  	_ =	shalt  }
0x5b: {  	_ =	shalt  }
0x5c: {  	_ =	shalt  }
0x5d: {  	_ =	shalt  }
0x5e: {  	_ =	shalt  }
0x5f: {  	_ =	shalt  }
0x60: {  	_ =	shalt  }
0x61: {  	_ =	shalt  }
0x62: {  	_ =	shalt  }
0x63: {  	_ =	shalt  }
0x64: {  	_ =	shalt  }
0x65: {  	_ =	shalt  }
0x66: {  	_ =	shalt  }
0x67: {  	_ =	shalt  }
0x68: {  	_ =	shalt  }
0x69: {  	_ =	shalt  }
0x6a: {  	_ =	shalt  }
0x6b: {  	_ =	shalt  }
0x6c: {  	_ =	shalt  }
0x6d: {  	_ =	shalt  }
0x6e: {  	_ =	shalt  }
0x6f: {  	_ =	shalt  }
0x70: {  	_ =	shalt  }
0x71: {  	_ =	shalt  }
0x72: {  	_ =	shalt  }
0x73: {  	_ =	shalt  }
0x74: {  	_ =	shalt  }
0x75: {  	_ =	shalt  }
0x76: {  	_ =	shalt  }
0x77: {  	_ =	shalt  }
0x78: {  	_ =	shalt  }
0x79: {  	_ =	shalt  }
0x7a: {  	_ =	shalt  }
0x7b: {  	_ =	shalt  }
0x7c: {  	_ =	shalt  }
0x7d: {  	_ =	shalt  }
0x7e: {  	_ =	shalt  }
0x7f: {  	_ =	shalt  }
0x80: {  	_ =	shalt  }
0x81: {  	_ =	shalt  }
0x82: {  	_ =	shalt  }
0x83: {  	_ =	shalt  }
0x84: {  	_ =	shalt  }
0x85: {  	_ =	shalt  }
0x86: {  	_ =	shalt  }
0x87: {  	_ =	shalt  }
.Lfunc_end0:
.L_simem_size_0:
called_computation_lowered:
.L_overlay_start_0:
0x88: {  	s2 =	sld [smem:$0x3FD9]  }
0x89: {  	s3 =	sld [smem:$0x3FFE];
	_ =	sdelay $0x1  }
0x8a: {  	s1 =	srdreg.scid  }
0x8b: {  	s0 =	sand.u32 $0x1, s1  }
0x8c: {  	s14 =	sshll.u32 s0, $0xA;
	s2 =	sadd.s32 s3, s2  }
0x8d: {  	s2 =	sadd.s32 s2, s14  }
0x8e: {  	[smem:$0x3FC2] =	sst s2  }
0x8f: {  	_ = 	snop  }
0x90: {  	s2 =	sld [smem:$0x3FD0];
	_ =	sdelay $0x2  }
0x91: {  	s15 =	simm.s32 $0xA;
	s4 =	simm.s32 $0x10  }
0x92: {  	[smem:s4], [sflag:s15] =	dma.local [hbm:s2], $0x1  }
0x93: {  	_ =	swait.eq [sflag:s15], $0x1  }
0x94: {  	[sflag:s15] =	ssyncset.done $0x0  }
0x95: {  	[sflag:s15] =	ssyncadd.s32 $0xFFFFFFFF  }
0x96: {  	s16 =	sld [smem:$0x10];
	(tm) =	ssettm $0x1  }
0x97: {  	s17 =	sld [smem:$0x3FFB];
	_ =	sdelay $0x3  }
0x98: {  	_ =	strace s17  }
0x99: {  	s3 =	sld [smem:$0x3FFC];
	_ =	sdelay $0x3  }
0x9a: {  	_ =	strace s3  }
0x9b: {  	s3 =	sld [smem:$0x3FFD];
	_ =	sdelay $0x3  }
0x9c: {  	_ =	strace s3  }
0x9d: {  	_ =	strace $0x8FFFFFFF  }
0x9e: {  	s18 =	sld [smem:$0x3FDB];
	_ =	sdelay $0x1  }
0x9f: {  	s19 =	simm.s32 $_scs_section_size  }
0xa0: {  	s5 =	simm.s32 $_size__tile_overlayer_lowered;
	s6 =	simm.s32 $_tile_overlayer_lowered  }
0xa1: {  	s22 =	simm.s32 $0x1BFF;
	s21 =	sshll.u32 s6, $0x1;
	s3 =	sadd.s32 s19, s18  }
0xa2: {  	s7 =	simm.s32 $0x0;
	s20 =	sshll.u32 s5, $0x1;
	s5 =	sadd.s32 s21, s3  }
0xa3: {  	[timem:s7], [sflag:s22] =	dma.local [hbm:s5], s20  }
0xa4: {  	_ =	swait.ge [sflag:s22], s20  }
0xa5: {  	s4 =	ssub.s32 $0x0, s20;
	[sflag:s22] =	ssyncset.done $0x0  }
0xa6: {  	[sflag:s22] =	ssyncadd.s32 s4;
	_ =	sdelay $0x1  }
0xa7: {  	s23 =	simm.s32 $0x1B8B  }
0xa8: {  	_ =	swait.ge [sflag:s23], $0x1  }
0xa9: {  	[sflag:s23] =	ssyncset.done $0x0  }
0xaa: {  	s25 =	simm.s32 $0x1B8E;
	s24 =	sld [smem:$0x3FFE];
	[sflag:s23] =	ssyncadd.s32 $0xFFFFFFFF  }
0xab: {  	s26 =	simm.s32 $execute0_lowered;
	[smem:$0x3FD2] =	sst s25  }
0xac: {  	s5 =	sshll.u32 s26, $0x1;
	_ =	strace $0x80000046;
	[dreg:$0x1] =	wrdreg $0xFFFFFFFF  }
0xad: {  	s28 =	simm.s32 $_size_execute0_lowered;
	s3 =	sadd.s32 s3, s5;
	[dreg:$0x0] =	wrdreg $0x0  }
0xae: {  	s5 =	sshll.u32 s28, $0x1;
	[dreg:$0x2] =	wrdreg s3  }
0xaf: {  	[dreg:$0x3] =	wrdreg s5  }
0xb0: {  	[dreg:$0x4] =	wrdreg $0xC0  }
0xb1: {  	_ =	task [dreg:s7], $0x5FFFF  }
0xb2: {  	[dreg:$0x1] =	wrdreg $0xFFFFFFFF  }
0xb3: {  	[dreg:$0x0] =	wrdreg $0x60  }
0xb4: {  	[dreg:$0x2] =	wrdreg s16  }
0xb5: {  	[dreg:$0x3] =	wrdreg s24  }
0xb6: {  	[dreg:$0x4] =	wrdreg $0x9  }
0xb7: {  	_ =	task.clear_ibuf [dreg:s7], $0x5FFFF;
	_ =	strace $0x90000046  }
0xb8: {  	s29 =	simm.s32 $0x9;
	_ =	strace $0x80000048  }
0xb9: {  	_ =	swait.ge [sflag:s29], $0x1  }
0xba: {  	[sflag:s29] =	ssyncadd.s32 $0xFFFFFFFF  }
0xbb: {  	_ =	strace $0x90000048  }
0xbc: {  	_ =	sfence  }
0xbd: {  	s30 =	sld [smem:$0x0];
	_ =	sdelay $0x2  }
0xbe: {  	s31 =	sshll.u32 s1, $0xD;
	s1 =	sshrl.u32 s1, $0x2  }
0xbf: {  	s3 =	sand.u32 $0x4000, s31;
	s1 =	sadd.s32 s1, s30  }
0xc0: {  	s0 =	sor.u32 s3, s0;
	s1 =	sshll.u32 s1, $0x11  }
0xc1: {  	s0 =	sor.u32 s1, s0  }
0xc2: {  	s0 =	sadd.s32 $0x8F2B, s0  }
0xc3: {  	[sflag:s0] =	ssyncadd.remote.s32 $0x1  }
0xc4: {  	_ =	sfence.sel $0xFFFF  }
0xc5: {  	[dreg:$0x0] =	wrdreg $0xFFFFFFFF;
	(pc) =	sbr.abs _section_cstart, $3  }
0xc6: {  	[dreg:$0x1] =	wrdreg $0xFFFFFFFF  }
0xc7: {  	_ =	task.clear_ibuf [dreg:s7], $0x2FFFF;
	_ =	strace $0x9FFFFFFF  }
0xc8: {  	(tm) =	ssettm $0x7FFFFFFF  }
0xc9: {  	_ =	shalt  }
tec
execute0_lowered:
.L_overlay_start_1:
0x0: {  	(tag) =	ssettag $0x1  }
0x1: {  	s9 =	rddreg [dreg:$0x0]  }
0x2: {  	s7 =	rddreg [dreg:$0x1];
	s2 =	simm.s32 $0x0  }
0x3: {  	s3 =	srdreg.scid;
	s1 =	stileid.u32;
	s16 =	simm.s32 $0x3  }
0x4: {  	s17 =	simm.s32 $0x7580;
	s18 =	simm.s32 $0xEB00;
	s19 =	simm.s32 $0x11280  }
0x5: {  	s20 =	simm.s32 $0x13A00;
	s21 =	simm.s32 $0x17900;
	s22 =	simm.s32 $0x15980  }
0x6: {  	s23 =	simm.s32 $0x19880;
	s24 =	simm.s32 $0x1;
	s25 =	simm.s32 $0x2  }
0x7: {  	s26 =	simm.s32 $0x0;
	[smem:$0x7FF] =	sst s2;
	s5 =	sand.u32 $0x1, s3  }
0x8: {  	s4 =	sshll.u32 s1, $0x1;
	s3 =	sadd.s32 $0x1800, s7;
	s10 =	sshrl.u32 s1, $0x2  }
0x9: {  	s6 =	sor.u32 s5, s4;
	s11 =	ssub.s32 $0x2, s5;
	s5 =	smul.u32 $0x13880, s10  }
0xa: {  	_ =	strace $0x80000047;
	s8 =	smul.u32 $0xEA6, s6;
	s12 =	sand.u32 $0x7, s6  }
0xb: {  	s4 =	sadd.s32 $0x1E00, s7;
	s29 =	sshrl.u32 s11, $0x1;
	s12 =	smul.u32 $0xEA6, s12  }
.Ltmp0:
0xc: {  	s6 =	sadd.s32 $0x2400, s7;
	s15 =	ssub.s32 s11, s29;
	(pc) =	sbr.rel .LBB2_1-.Ltmp0, $4  }
0xd: {  	s30 =	sshrl.u32 s5, $0x3;
	s14 =	sadd.s32 s8, s7;
	s7 =	sadd.s32 $0x4E200, s5  }
0xe: {  	s10 =	sadd.s32 s6, s30;
	s15 =	smax.u32 s15, $0x1;
	s8 =	sadd.s32 s9, s12  }
0xf: {  	s31 =	sshrl.u32 s7, $0x3;
	s9 =	sadd.s32 $0x668A, s9;
	s12 =	sadd.s32 $0x3E8, s10  }
0x10: {  	s13 =	sadd.s32 $0xA028, s10;
	s14 =	sadd.s32 $0x15E00, s14;
	s11 =	sadd.s32 s6, s31  }
.LBB2_8:
0x11: {  	s26 =	sadd.s32 $0x1, s26  }
0x12: {  	p0 =	sne.s32 s26, s15  }
.Ltmp1:
0x13: {  	_ = 	snop;
	(pc) =	sbr.rel @!p0 .LBB2_9-.Ltmp1, $4  }
0x14: {  	[hbm4b:s14+s2] =	stream.linear.scatter [tilespmem:s17], [sflag:$0x3], $0x7530, $0x38;
	[tilespmem:$0x1B800] =	vst v63  }
0x15: {  	_ =	swait.ge [sflag:s16], $0x7530  }
0x16: {  	[sflag:s16] =	ssyncset.done $0x0  }
0x17: {  	[sflag:s16] =	ssyncadd.s32 $0xFFFF8AD0  }
.LBB2_1:
0x18: {  	[tilespmem:s2], [sflag:$0x3] =	stream.linear.gather [hbm4b:s8+s2], $0x7530, $0x38;
	[tilespmem:$0x1B800] =	vst v63  }
0x19: {  	_ =	swait.ge [sflag:s16], $0x7530  }
0x1a: {  	[sflag:s16] =	ssyncset.done $0x0  }
0x1b: {  	[sflag:s16] =	ssyncadd.s32 $0xFFFF8AD0  }
0x1c: {  	[tilespmem:s17], [sflag:$0x3] =	stream.linear.gather [hbm4b:s9+s2], $0x7530, $0x38;
	[tilespmem:$0x1B800] =	vst v63  }
0x1d: {  	_ =	swait.ge [sflag:s16], $0x7530  }
0x1e: {  	[sflag:s16] =	ssyncset.done $0x0  }
0x1f: {  	[sflag:s16] =	ssyncadd.s32 $0xFFFF8AD0  }
0x20: {  	[tilespmem:s18], [sflag:$0x3] =	stream.linear.gather [hbm4b:s3+s2], $0x2780, $0x38;
	[tilespmem:$0x1B800] =	vst v63  }
0x21: {  	_ =	swait.ge [sflag:s16], $0x2780  }
0x22: {  	[sflag:s16] =	ssyncset.done $0x0  }
0x23: {  	[sflag:s16] =	ssyncadd.s32 $0xFFFFD880  }
0x24: {  	[tilespmem:s19], [sflag:$0x3] =	stream.linear.gather [hbm4b:s4+s2], $0x2780, $0x38;
	[tilespmem:$0x1B800] =	vst v63  }
0x25: {  	_ =	swait.ge [sflag:s16], $0x2780  }
0x26: {  	[sflag:s16] =	ssyncset.done $0x0  }
0x27: {  	[sflag:s16] =	ssyncadd.s32 $0xFFFFD880  }
0x28: {  	[tilespmem:s20], [sflag:$0x1] =	stream.linear.gather [hbm4b:s10+s2], $0x1F40, $0x38;
	[tilespmem:$0x1B800] =	vst v63  }
0x29: {  	_ = 	snop  }
0x2a: {  	[tilespmem:s21], [sflag:$0x1] =	stream.linear.gather [hbm4b:s11+s2], $0x1F40, $0x38;
	[tilespmem:$0x1B800] =	vst v63  }
0x2b: {  	_ = 	snop  }
0x2c: {  	[tilespmem:s22], [sflag:$0x2] =	stream.linear.gather [hbm4b:s12+s2], $0x1F40, $0x38;
	[tilespmem:$0x1B800] =	vst v63  }
0x2d: {  	s28 =	simm.s32 $0x0  }
0x2e: {  	[tilespmem:s23], [sflag:$0x2] =	stream.linear.gather [hbm4b:s13+s2], $0x1F40, $0x38;
	[tilespmem:$0x1B800] =	vst v63  }
.LBB2_2:
0x2f: {  	_ =	swait.ge [sflag:s24], $0x1F40  }
0x30: {  	[sflag:s24] =	ssyncset.done $0x0  }
0x31: {  	[sflag:s24] =	ssyncadd.s32 $0xFFFFE0C0  }
0x32: {  	_ =	swait.ge [sflag:s24], $0x1F40  }
0x33: {  	[sflag:s24] =	ssyncset.done $0x0  }
0x34: {  	s29 =	simm.s32 $0x13A20;
	[sflag:s24] =	ssyncadd.s32 $0xFFFFE0C0  }
0x35: {  	s30 =	simm.s32 $0x17920;
	v0 =	vld [tilespmem:s29+$0x10]  }
0x36: {  	v1 =	vld [tilespmem:s30+$0x10];
	_ =	sdelay $0x6  }
0x37: {  	v2 =	vld.idx.msk [tilespmem:v0+s18+$0x0], $0xffff  }
0x38: {  	v3 =	vld.idx.msk [tilespmem:v1+s19+$0x0], $0xffff;
	_ =	sdelay $0x4  }
0x39: {  	v2 =	vadd.f32 v3, v2;
	_ =	sdelay $0x1  }
0x3a: {  	v3 =	vmul.f32 $2.000000030e-01, v2;
	_ =	sdelay $0x1  }
0x3b: {  	v2 =	vmax.f32 v2, v3  }
0x3c: {  	v2 =	vmul.f32 $1.442695020e+00, v2  }
0x3d: {  	v6 =	vld [tilespmem:s30+$0xFFFFFFE0]  }
0x3e: {  	v9 =	vld [tilespmem:s30+$0xFFFFFFF0];
	(erf) = vpow2.f32 v2  }
0x3f: {  	v8 =	vld [tilespmem:s29+$0x0]  }
0x40: {  	v7 =	vld [tilespmem:s30+$0x0]  }
0x41: {  	v3 =	vld [tilespmem:s29+$0xFFFFFFF0];
	_ =	sdelay $0x1  }
0x42: {  	v2 =	vld.idx.msk [tilespmem:v0+s2+$0x0], $0xffff  }
0x43: {  	v4 =	vld [tilespmem:s29+$0xFFFFFFE0]  }
0x44: {  	v5 =	vld.idx.msk [tilespmem:v6+s19+$0x0], $0xffff  }
0x45: {  	v11 =	vadd.s32 $0x2710, v0;
	v12 =	vld.idx.msk [tilespmem:v9+s19+$0x0], $0xffff  }
0x46: {  	v13 =	vld.idx.msk [tilespmem:v8+s18+$0x0], $0xffff;
	v14 =	vpop (erf)  }
0x47: {  	v15 =	vld.idx.msk [tilespmem:v7+s19+$0x0], $0xffff;
	v2 =	vmul.f32 v14, v2  }
0x48: {  	v10 =	vld.idx.msk [tilespmem:v3+s18+$0x0], $0xffff  }
0x49: {  	[tilespmem:v1+s17+$0x0] =	vst.idx.add.f32.msk $0xffff, v2  }
0x4a: {  	v2 =	vld.idx.msk [tilespmem:v11+s2+$0x0], $0xffff  }
0x4b: {  	s29 =	simm.s32 $0x13A60;
	v11 =	vld.idx.msk [tilespmem:v4+s18+$0x0], $0xffff  }
0x4c: {  	v17 =	vld [tilespmem:s29+$0x10]  }
0x4d: {  	s30 =	simm.s32 $0x17960;
	v16 =	vadd.s32 $0x2710, v1  }
0x4e: {  	v18 =	vld [tilespmem:s30+$0x10];
	v12 =	vadd.f32 v12, v10  }
0x4f: {  	v13 =	vadd.f32 v15, v13;
	v0 =	vadd.s32 $0x4E20, v0  }
0x50: {  	v15 =	vmul.f32 $2.000000030e-01, v12;
	v2 =	vmul.f32 v14, v2;
	v5 =	vadd.f32 v5, v11  }
0x51: {  	v20 =	vld.idx.msk [tilespmem:v4+s2+$0x0], $0xffff;
	v11 =	vmul.f32 $2.000000030e-01, v13  }
0x52: {  	[tilespmem:v16+s17+$0x0] =	vst.idx.add.f32.msk $0xffff, v2;
	v2 =	vmax.f32 v12, v15;
	v12 =	vmul.f32 $2.000000030e-01, v5  }
0x53: {  	v19 =	vld.idx.msk [tilespmem:v3+s2+$0x0], $0xffff;
	v13 =	vmax.f32 v13, v11;
	v2 =	vmul.f32 $1.442695020e+00, v2  }
0x54: {  	v15 =	vld.idx.msk [tilespmem:v17+s18+$0x0], $0xffff;
	v5 =	vmax.f32 v5, v12;
	v12 =	vmul.f32 $1.442695020e+00, v13  }
0x55: {  	v0 =	vld.idx.msk [tilespmem:v0+s2+$0x0], $0xffff;
	(erf) = vpow2.f32 v2;
	v2 =	vmul.f32 $1.442695020e+00, v5  }
0x56: {  	v5 =	vld.idx.msk [tilespmem:v18+s19+$0x0], $0xffff;
	(erf) = vpow2.f32 v12  }
0x57: {  	v10 =	vld [tilespmem:s30+$0xFFFFFFE0];
	(erf) = vpow2.f32 v2  }
0x58: {  	v1 =	vadd.s32 $0x4E20, v1;
	v11 =	vld [tilespmem:s29+$0xFFFFFFF0]  }
0x59: {  	v16 =	vld [tilespmem:s29+$0x0]  }
0x5a: {  	v13 =	vld [tilespmem:s30+$0x0]  }
0x5b: {  	v12 =	vld [tilespmem:s30+$0xFFFFFFF0];
	v0 =	vmul.f32 v14, v0;
	v5 =	vadd.f32 v5, v15  }
0x5c: {  	v2 =	vld.idx.msk [tilespmem:v8+s2+$0x0], $0xffff  }
0x5d: {  	[tilespmem:v1+s17+$0x0] =	vst.idx.add.f32.msk $0xffff, v0;
	v0 =	vmul.f32 $2.000000030e-01, v5  }
0x5e: {  	v14 =	vld [tilespmem:s29+$0xFFFFFFE0];
	v21 =	vpop (erf)  }
0x5f: {  	v15 =	vld.idx.msk [tilespmem:v10+s19+$0x0], $0xffff;
	v0 =	vmax.f32 v5, v0;
	v23 =	vpop (erf)  }
0x60: {  	v24 =	vadd.s32 $0x2710, v4;
	v1 =	vld.idx.msk [tilespmem:v11+s18+$0x0], $0xffff;
	v0 =	vmul.f32 $1.442695020e+00, v0;
	v27 =	vpop (erf)  }
0x61: {  	v26 =	vld.idx.msk [tilespmem:v11+s2+$0x0], $0xffff;
	v20 =	vmul.f32 v27, v20  }
0x62: {  	v28 =	vadd.s32 $0x2710, v3;
	v25 =	vld.idx.msk [tilespmem:v13+s19+$0x0], $0xffff;
	(erf) = vpow2.f32 v0;
	v0 =	vmul.f32 v21, v19  }
0x63: {  	[tilespmem:v6+s17+$0x0] =	vst.idx.add.f32.msk $0xffff, v20  }
0x64: {  	[tilespmem:v9+s17+$0x0] =	vst.idx.add.f32.msk $0xffff, v0;
	v0 =	vmul.f32 v23, v2  }
0x65: {  	v2 =	vld.idx.msk [tilespmem:v24+s2+$0x0], $0xffff  }
0x66: {  	v20 =	vadd.s32 $0x2710, v8;
	[tilespmem:v7+s17+$0x0] =	vst.idx.add.f32.msk $0xffff, v0  }
0x67: {  	v0 =	vld.idx.msk [tilespmem:v28+s2+$0x0], $0xffff  }
0x68: {  	v29 =	vadd.s32 $0x2710, v6;
	v24 =	vld.idx.msk [tilespmem:v17+s2+$0x0], $0xffff  }
0x69: {  	v30 =	vadd.s32 $0x2710, v9;
	v22 =	vld.idx.msk [tilespmem:v12+s19+$0x0], $0xffff  }
0x6a: {  	v5 =	vld.idx.msk [tilespmem:v16+s18+$0x0], $0xffff  }
0x6b: {  	v28 =	vadd.s32 $0x2710, v17;
	v20 =	vld.idx.msk [tilespmem:v20+s2+$0x0], $0xffff;
	v2 =	vmul.f32 v27, v2  }
0x6c: {  	v19 =	vld.idx.msk [tilespmem:v14+s18+$0x0], $0xffff;
	v32 =	vpop (erf);
	v0 =	vmul.f32 v21, v0  }
0x6d: {  	v33 =	vadd.s32 $0x2710, v7;
	v24 =	vmul.f32 v32, v24;
	[tilespmem:v29+s17+$0x0] =	vst.idx.add.f32.msk $0xffff, v2  }
0x6e: {  	v4 =	vadd.s32 $0x4E20, v4;
	[tilespmem:v30+s17+$0x0] =	vst.idx.add.f32.msk $0xffff, v0  }
0x6f: {  	v2 =	vadd.s32 $0x4E20, v3;
	[tilespmem:v18+s17+$0x0] =	vst.idx.add.f32.msk $0xffff, v24  }
0x70: {  	s29 =	simm.s32 $0x179A0;
	v3 =	vmul.f32 v23, v20;
	v20 =	vld.idx.msk [tilespmem:v28+s2+$0x0], $0xffff  }
0x71: {  	v0 =	vld [tilespmem:s29+$0x10]  }
0x72: {  	[tilespmem:v33+s17+$0x0] =	vst.idx.add.f32.msk $0xffff, v3;
	v3 =	vadd.s32 $0x2710, v18  }
0x73: {  	v24 =	vld.idx.msk [tilespmem:v4+s2+$0x0], $0xffff  }
0x74: {  	s30 =	simm.s32 $0x13AA0;
	v15 =	vadd.f32 v15, v19;
	v4 =	vadd.s32 $0x4E20, v17;
	v17 =	vld.idx.msk [tilespmem:v2+s2+$0x0], $0xffff;
	v2 =	vadd.f32 v22, v1  }
0x75: {  	v5 =	vadd.f32 v25, v5;
	v28 =	vld [tilespmem:s30+$0x10];
	v20 =	vmul.f32 v32, v20  }
0x76: {  	v31 =	vld.idx.msk [tilespmem:v14+s2+$0x0], $0xffff;
	v19 =	vmul.f32 $2.000000030e-01, v15;
	v22 =	vmul.f32 $2.000000030e-01, v2  }
0x77: {  	[tilespmem:v3+s17+$0x0] =	vst.idx.add.f32.msk $0xffff, v20;
	v3 =	vmul.f32 $2.000000030e-01, v5  }
0x78: {  	v15 =	vmax.f32 v15, v19;
	v19 =	vld [tilespmem:s30+$0x0];
	v2 =	vmax.f32 v2, v22  }
0x79: {  	v20 =	vld [tilespmem:s30+$0xFFFFFFF0];
	v2 =	vmul.f32 $1.442695020e+00, v2;
	v5 =	vmax.f32 v5, v3  }
0x7a: {  	v3 =	vld [tilespmem:s29+$0xFFFFFFF0];
	v5 =	vmul.f32 $1.442695020e+00, v5  }
0x7b: {  	v22 =	vld.idx.msk [tilespmem:v0+s19+$0x0], $0xffff;
	(erf) = vpow2.f32 v2;
	v2 =	vmul.f32 $1.442695020e+00, v15  }
0x7c: {  	v4 =	vld.idx.msk [tilespmem:v4+s2+$0x0], $0xffff;
	(erf) = vpow2.f32 v5  }
0x7d: {  	v15 =	vld.idx.msk [tilespmem:v28+s18+$0x0], $0xffff;
	(erf) = vpow2.f32 v2  }
0x7e: {  	v30 =	vld [tilespmem:s30+$0xFFFFFFE0]  }
0x7f: {  	v1 =	vld [tilespmem:s29+$0xFFFFFFE0]  }
0x80: {  	v18 =	vadd.s32 $0x4E20, v18;
	v5 =	vld [tilespmem:s29+$0x0]  }
0x81: {  	v2 =	vmul.f32 v32, v4;
	v29 =	vld.idx.msk [tilespmem:v20+s18+$0x0], $0xffff  }
0x82: {  	v15 =	vadd.f32 v22, v15;
	v22 =	vld.idx.msk [tilespmem:v3+s19+$0x0], $0xffff  }
0x83: {  	v34 =	vld.idx.msk [tilespmem:v16+s2+$0x0], $0xffff  }
0x84: {  	v56 =	vld.idx.msk [tilespmem:v19+s18+$0x0], $0xffff;
	v4 =	vpop (erf)  }
0x85: {  	[tilespmem:v18+s17+$0x0] =	vst.idx.add.f32.msk $0xffff, v2;
	v25 =	vmul.f32 $2.000000030e-01, v15;
	v2 =	vpop (erf)  }
0x86: {  	v36 =	vadd.s32 $0x4E20, v6;
	v38 =	vadd.s32 $0x4E20, v9;
	v39 =	vadd.s32 $0x2710, v14;
	v37 =	vld.idx.msk [tilespmem:v30+s18+$0x0], $0xffff;
	v6 =	vpop (erf)  }
0x87: {  	v18 =	vld.idx.msk [tilespmem:v1+s19+$0x0], $0xffff;
	v15 =	vmax.f32 v15, v25;
	v22 =	vadd.f32 v22, v29;
	v9 =	vmul.f32 v6, v31  }
0x88: {  	v15 =	vmul.f32 $1.442695020e+00, v15;
	v35 =	vld.idx.msk [tilespmem:v5+s19+$0x0], $0xffff;
	v29 =	vadd.s32 $0x2710, v11;
	v31 =	vmul.f32 v4, v26  }
0x89: {  	v40 =	vadd.s32 $0x2710, v16;
	v60 =	vadd.s32 $0x4E20, v14;
	v41 =	vmul.f32 $2.000000030e-01, v22;
	[tilespmem:v10+s17+$0x0] =	vst.idx.add.f32.msk $0xffff, v9  }
0x8a: {  	v14 =	vmul.f32 v27, v24;
	(erf) = vpow2.f32 v15;
	v15 =	vadd.s32 $0x4E20, v8;
	[tilespmem:v12+s17+$0x0] =	vst.idx.add.f32.msk $0xffff, v31  }
0x8b: {  	v8 =	vadd.s32 $0x4E20, v10;
	v31 =	vadd.s32 $0x2710, v10;
	v10 =	vmax.f32 v22, v41;
	v22 =	vld.idx.msk [tilespmem:v39+s2+$0x0], $0xffff  }
0x8c: {  	v42 =	vadd.s32 $0x4E20, v11;
	v43 =	vadd.s32 $0x2710, v12;
	[tilespmem:v36+s17+$0x0] =	vst.idx.add.f32.msk $0xffff, v14;
	v21 =	vmul.f32 v21, v17  }
0x8d: {  	v17 =	vadd.s32 $0x2710, v20;
	v34 =	vmul.f32 v2, v34;
	v32 =	vadd.f32 v35, v56;
	v24 =	vld.idx.msk [tilespmem:v29+s2+$0x0], $0xffff  }
0x8e: {  	v57 =	vld.idx.msk [tilespmem:v20+s2+$0x0], $0xffff;
	v37 =	vadd.f32 v18, v37;
	v9 =	vadd.s32 $0x4E20, v12;
	v12 =	vadd.s32 $0x4E20, v16  }
0x8f: {  	[tilespmem:v13+s17+$0x0] =	vst.idx.add.f32.msk $0xffff, v34;
	v16 =	vadd.s32 $0x4E20, v20;
	v11 =	vmul.f32 $1.442695020e+00, v10;
	v20 =	vmul.f32 $2.000000030e-01, v32  }
0x90: {  	v62 =	vmul.f32 $2.000000030e-01, v37;
	v27 =	vld.idx.msk [tilespmem:v40+s2+$0x0], $0xffff;
	v22 =	vmul.f32 v6, v22  }
0x91: {  	v58 =	vadd.s32 $0x2710, v13;
	v59 =	vld.idx.msk [tilespmem:v28+s2+$0x0], $0xffff;
	(erf) = vpow2.f32 v11;
	v20 =	vmax.f32 v32, v20  }
0x92: {  	[tilespmem:v31+s17+$0x0] =	vst.idx.add.f32.msk $0xffff, v22;
	v22 =	vmul.f32 v4, v24;
	v24 =	vmax.f32 v37, v62;
	v31 =	vmul.f32 $1.442695020e+00, v20  }
0x93: {  	[tilespmem:v38+s17+$0x0] =	vst.idx.add.f32.msk $0xffff, v21;
	v63 =	vmul.f32 $1.442695020e+00, v24  }
0x94: {  	v61 =	vld.idx.msk [tilespmem:v15+s2+$0x0], $0xffff;
	v15 =	vadd.s32 $0x2710, v28;
	(erf) = vpow2.f32 v31  }
0x95: {  	v25 =	vld.idx.msk [tilespmem:v30+s2+$0x0], $0xffff;
	v29 =	vpop (erf);
	v27 =	vmul.f32 v2, v27;
	(erf) = vpow2.f32 v63  }
0x96: {  	v26 =	vld.idx.msk [tilespmem:v19+s2+$0x0], $0xffff;
	v34 =	vmul.f32 v29, v59  }
0x97: {  	v7 =	vadd.s32 $0x4E20, v7;
	[tilespmem:v58+s17+$0x0] =	vst.idx.add.f32.msk $0xffff, v27  }
0x98: {  	v36 =	vadd.s32 $0x4E20, v28;
	v21 =	vadd.s32 $0x2710, v19;
	v14 =	vadd.s32 $0x4E20, v3;
	[tilespmem:v0+s17+$0x0] =	vst.idx.add.f32.msk $0xffff, v34  }
0x99: {  	v18 =	vadd.s32 $0x2710, v3;
	v19 =	vadd.s32 $0x4E20, v19;
	v35 =	vadd.s32 $0x2710, v0;
	v34 =	vld.idx.msk [tilespmem:v15+s2+$0x0], $0xffff  }
0x9a: {  	v10 =	vadd.s32 $0x4E20, v13;
	v13 =	vadd.s32 $0x2710, v1;
	v11 =	vadd.s32 $0x4E20, v1;
	v32 =	vld.idx.msk [tilespmem:v60+s2+$0x0], $0xffff  }
0x9b: {  	v23 =	vmul.f32 v23, v61;
	v20 =	vadd.s32 $0x2710, v5;
	v15 =	vadd.s32 $0x4E20, v5;
	[tilespmem:v43+s17+$0x0] =	vst.idx.add.f32.msk $0xffff, v22;
	v31 =	vpop (erf)  }
0x9c: {  	s31 =	simm.s32 $0x13AE0;
	s30 =	simm.s32 $0x80;
	v24 =	vadd.s32 $0x2710, v30;
	v22 =	vadd.s32 $0x4E20, v30;
	v33 =	vld.idx.msk [tilespmem:v42+s2+$0x0], $0xffff;
	v30 =	vmul.f32 v31, v57  }
.LBB2_3:
0x9d: {  	v27 =	vld [tilespmem:s31+$0x10];
	s29 =	sadd.s32 $0x40, s29;
	v28 =	vpop (erf)  }
0x9e: {  	s30 =	sadd.s32 $0x40, s30;
	v37 =	vld [tilespmem:s29+$0x10];
	v38 =	vmul.f32 v28, v26;
	v26 =	vmul.f32 v29, v34;
	v34 =	vpop (erf)  }
0x9f: {  	p0 =	slt.u32 s30, $0x1F00;
	v39 =	vld [tilespmem:s29+$0xFFFFFFE0];
	v40 =	vmul.f32 v34, v25  }
0xa0: {  	[tilespmem:v35+s17+$0x0] =	vst.idx.add.f32.msk $0xffff, v26  }
0xa1: {  	v32 =	vmul.f32 v6, v32;
	v6 =	vmov v34;
	v25 =	vld.idx.msk [tilespmem:v36+s2+$0x0], $0xffff  }
0xa2: {  	v33 =	vmul.f32 v4, v33;
	v4 =	vmov v31;
	v26 =	vld [tilespmem:s31+$0xFFFFFFF0]  }
0xa3: {  	v31 =	vld [tilespmem:s29+$0xFFFFFFF0]  }
0xa4: {  	v41 =	vadd.s32 $0x4E20, v0;
	v0 =	vmovc v37;
	v34 =	vadd.s32 $0x2710, v39;
	v35 =	vadd.s32 $0x4E20, v39;
	v36 =	vld [tilespmem:s31+$0x0]  }
0xa5: {  	v42 =	vld.idx.msk [tilespmem:v27+s18+$0x0], $0xffff  }
0xa6: {  	v37 =	vld.idx.msk [tilespmem:v37+s19+$0x0], $0xffff  }
0xa7: {  	v25 =	vmul.f32 v29, v25;
	v43 =	vadd.s32 $0x2710, v26;
	v44 =	vadd.s32 $0x4E20, v26;
	v45 =	vld [tilespmem:s29+$0x0]  }
0xa8: {  	v29 =	vld [tilespmem:s31+$0xFFFFFFE0];
	v46 =	vadd.s32 $0x2710, v31;
	v47 =	vadd.s32 $0x4E20, v31  }
0xa9: {  	v48 =	vadd.s32 $0x2710, v36;
	v49 =	vadd.s32 $0x4E20, v36;
	[tilespmem:v41+s17+$0x0] =	vst.idx.add.f32.msk $0xffff, v25  }
0xaa: {  	v41 =	vld.idx.msk [tilespmem:v39+s19+$0x0], $0xffff  }
0xab: {  	v50 =	vld.idx.msk [tilespmem:v26+s18+$0x0], $0xffff  }
0xac: {  	v25 =	vadd.f32 v37, v42;
	v51 =	vld.idx.msk [tilespmem:v31+s19+$0x0], $0xffff;
	v52 =	vadd.s32 $0x2710, v45;
	v53 =	vadd.s32 $0x4E20, v45  }
0xad: {  	v37 =	vadd.s32 $0x2710, v29;
	v42 =	vadd.s32 $0x4E20, v29;
	v54 =	vld.idx.msk [tilespmem:v36+s18+$0x0], $0xffff  }
0xae: {  	v55 =	vld.idx.msk [tilespmem:v26+s2+$0x0], $0xffff;
	v26 =	vmul.f32 $2.000000030e-01, v25  }
0xaf: {  	v56 =	vld.idx.msk [tilespmem:v45+s19+$0x0], $0xffff  }
0xb0: {  	v57 =	vld.idx.msk [tilespmem:v29+s18+$0x0], $0xffff;
	v26 =	vmax.f32 v25, v26  }
0xb1: {  	v25 =	vld.idx.msk [tilespmem:v29+s2+$0x0], $0xffff;
	v29 =	vmul.f32 $1.442695020e+00, v26  }
0xb2: {  	v50 =	vadd.f32 v51, v50;
	v26 =	vld.idx.msk [tilespmem:v36+s2+$0x0], $0xffff  }
0xb3: {  	(erf) = vpow2.f32 v29;
	[tilespmem:v1+s17+$0x0] =	vst.idx.add.f32.msk $0xffff, v40;
	v1 =	vmov v39  }
0xb4: {  	v29 =	vmul.f32 $2.000000030e-01, v50;
	[tilespmem:v3+s17+$0x0] =	vst.idx.add.f32.msk $0xffff, v30;
	v3 =	vmov v31  }
0xb5: {  	v30 =	vadd.f32 v56, v54;
	[tilespmem:v5+s17+$0x0] =	vst.idx.add.f32.msk $0xffff, v38;
	v5 =	vmov v45  }
0xb6: {  	v31 =	vadd.f32 v41, v57;
	v29 =	vmax.f32 v50, v29;
	v36 =	vld.idx.msk [tilespmem:v24+s2+$0x0], $0xffff;
	v24 =	vmov v37  }
0xb7: {  	v29 =	vmul.f32 $1.442695020e+00, v29;
	v37 =	vmul.f32 $2.000000030e-01, v30;
	v38 =	vld.idx.msk [tilespmem:v27+s2+$0x0], $0xffff  }
0xb8: {  	v39 =	vmul.f32 $2.000000030e-01, v31;
	v40 =	vld.idx.msk [tilespmem:v17+s2+$0x0], $0xffff;
	v17 =	vmov v43  }
0xb9: {  	v30 =	vmax.f32 v30, v37;
	(erf) = vpow2.f32 v29;
	v37 =	vld.idx.msk [tilespmem:v21+s2+$0x0], $0xffff;
	v21 =	vmov v48  }
0xba: {  	v43 =	vmax.f32 v31, v39;
	v30 =	vmul.f32 $1.442695020e+00, v30;
	v31 =	vld.idx.msk [tilespmem:v12+s2+$0x0], $0xffff;
	v12 =	vmovc v19;
	v19 =	vmov v49  }
0xbb: {  	v41 =	vadd.s32 $0x2710, v27;
	v39 =	vmul.f32 $1.442695020e+00, v43;
	[tilespmem:v8+s17+$0x0] =	vst.idx.add.f32.msk $0xffff, v32;
	v8 =	vmovc v11;
	v11 =	vmov v35  }
0xbc: {  	(erf) = vpow2.f32 v30;
	v29 =	vpop (erf);
	v30 =	vmul.f32 v6, v36;
	[tilespmem:v9+s17+$0x0] =	vst.idx.add.f32.msk $0xffff, v33;
	v9 =	vmov v14  }
0xbd: {  	v14 =	vmovc v47;
	v32 =	vmul.f32 v29, v38;
	(erf) = vpow2.f32 v39;
	[tilespmem:v7+s17+$0x0] =	vst.idx.add.f32.msk $0xffff, v23;
	v7 =	vmov v10  }
0xbe: {  	v10 =	vmovc v15;
	v15 =	vmov v53;
	[tilespmem:v13+s17+$0x0] =	vst.idx.add.f32.msk $0xffff, v30;
	v30 =	vmul.f32 v4, v40;
	v13 =	vmov v34  }
0xbf: {  	[tilespmem:v0+s17+$0x0] =	vst.idx.add.f32.msk $0xffff, v32;
	v32 =	vmul.f32 v28, v37  }
.Ltmp2:
0xc0: {  	v23 =	vmul.f32 v2, v31;
	v2 =	vmov v28;
	v34 =	vld.idx.msk [tilespmem:v41+s2+$0x0], $0xffff;
	(pc) =	sbr.rel @p0 .LBB2_3-.Ltmp2, $4  }
0xc1: {  	[tilespmem:v18+s17+$0x0] =	vst.idx.add.f32.msk $0xffff, v30;
	v18 =	vmov v46  }
0xc2: {  	v31 =	vpop (erf);
	[tilespmem:v20+s17+$0x0] =	vst.idx.add.f32.msk $0xffff, v32;
	v20 =	vmov v52  }
0xc3: {  	v35 =	vadd.s32 $0x2710, v0;
	v30 =	vmul.f32 v31, v55;
	v32 =	vld.idx.msk [tilespmem:v22+s2+$0x0], $0xffff;
	v22 =	vmov v42  }
0xc4: {  	s31 =	sadd.s32 $0x40, s31;
	v36 =	vadd.s32 $0x4E20, v27;
	v33 =	vld.idx.msk [tilespmem:v16+s2+$0x0], $0xffff;
	v16 =	vmov v44  }
0xc5: {  	_ =	sdelay $0x3  }
0xc6: {  	v27 =	vpop (erf);
	v28 =	vmul.f32 v29, v34;
	[tilespmem:v3+s17+$0x0] =	vst.idx.add.f32.msk $0xffff, v30  }
0xc7: {  	v50 =	vpop (erf);
	v17 =	vld.idx.msk [tilespmem:v17+s2+$0x0], $0xffff  }
0xc8: {  	v25 =	vmul.f32 v50, v25;
	[tilespmem:v35+s17+$0x0] =	vst.idx.add.f32.msk $0xffff, v28  }
0xc9: {  	v28 =	vld.idx.msk [tilespmem:v36+s2+$0x0], $0xffff  }
0xca: {  	v3 =	vmul.f32 v27, v26;
	[tilespmem:v1+s17+$0x0] =	vst.idx.add.f32.msk $0xffff, v25  }
0xcb: {  	v0 =	vadd.s32 $0x4E20, v0;
	v1 =	vld.idx.msk [tilespmem:v24+s2+$0x0], $0xffff  }
0xcc: {  	[tilespmem:v5+s17+$0x0] =	vst.idx.add.f32.msk $0xffff, v3;
	v5 =	vmul.f32 v31, v17  }
0xcd: {  	v3 =	vld.idx.msk [tilespmem:v21+s2+$0x0], $0xffff  }
0xce: {  	v24 =	vmul.f32 v29, v28;
	[tilespmem:v18+s17+$0x0] =	vst.idx.add.f32.msk $0xffff, v5  }
0xcf: {  	v5 =	vld.idx.msk [tilespmem:v16+s2+$0x0], $0xffff  }
0xd0: {  	[tilespmem:v0+s17+$0x0] =	vst.idx.add.f32.msk $0xffff, v24;
	v0 =	vmul.f32 v50, v1  }
0xd1: {  	v1 =	vld.idx.msk [tilespmem:v12+s2+$0x0], $0xffff  }
0xd2: {  	[tilespmem:v13+s17+$0x0] =	vst.idx.add.f32.msk $0xffff, v0;
	v0 =	vmul.f32 v27, v3  }
0xd3: {  	v3 =	vld.idx.msk [tilespmem:v22+s2+$0x0], $0xffff  }
0xd4: {  	[tilespmem:v20+s17+$0x0] =	vst.idx.add.f32.msk $0xffff, v0  }
0xd5: {  	v6 =	vmul.f32 v6, v32;
	v0 =	vmul.f32 v4, v33;
	v4 =	vld.idx.msk [tilespmem:v19+s2+$0x0], $0xffff  }
0xd6: {  	p0 =	seq.s32 s28, $0x4;
	[tilespmem:v7+s17+$0x0] =	vst.idx.add.f32.msk $0xffff, v23  }
0xd7: {  	s29 =	smul.u32 @!p0 $0x3E80, s28;
	[tilespmem:v8+s17+$0x0] =	vst.idx.add.f32.msk $0xffff, v6;
	v1 =	vmul.f32 v2, v1  }
0xd8: {  	[tilespmem:v9+s17+$0x0] =	vst.idx.add.f32.msk $0xffff, v0;
	v0 =	vmul.f32 v50, v3  }
0xd9: {  	s29 =	sadd.s32 @!p0 $0x3E80, s29;
	[tilespmem:v10+s17+$0x0] =	vst.idx.add.f32.msk $0xffff, v1;
	v3 =	vmul.f32 v31, v5  }
0xda: {  	s30 =	sadd.s32 @!p0 s5, s29;
	[tilespmem:v11+s17+$0x0] =	vst.idx.add.f32.msk $0xffff, v0;
	v0 =	vmul.f32 v27, v4  }
0xdb: {  	s30 =	sshrl.u32 @!p0 s30, $0x3;
	[tilespmem:v14+s17+$0x0] =	vst.idx.add.f32.msk $0xffff, v3  }
0xdc: {  	s31 =	simm.s32 @!p0 $0x0;
	s0 =	simm.s32 @!p0 $0x13A00;
	s30 =	sadd.s32 @!p0 s6, s30;
	[tilespmem:v15+s17+$0x0] =	vst.idx.add.f32.msk $0xffff, v0  }
0xdd: {  	[tilespmem:s0], [sflag:$0x1] =	stream.linear.gather @!p0 [hbm4b:s30+s31], $0x1F40, $0x38;
	[tilespmem:$0x1B800] =	vst v63  }
0xde: {  	s0 =	sadd.s32 @!p0 s7, s29  }
0xdf: {  	s0 =	sshrl.u32 @!p0 s0, $0x3  }
0xe0: {  	s29 =	simm.s32 @!p0 $0x17900;
	s0 =	sadd.s32 @!p0 s6, s0  }
0xe1: {  	[tilespmem:s29], [sflag:$0x1] =	stream.linear.gather @!p0 [hbm4b:s0+s31], $0x1F40, $0x38;
	[tilespmem:$0x1B800] =	vst v63  }
0xe2: {  	_ =	swait.ge [sflag:s25], $0x1F40  }
0xe3: {  	[sflag:s25] =	ssyncset.done $0x0  }
0xe4: {  	[sflag:s25] =	ssyncadd.s32 $0xFFFFE0C0  }
0xe5: {  	_ =	swait.ge [sflag:s25], $0x1F40  }
0xe6: {  	[sflag:s25] =	ssyncset.done $0x0  }
0xe7: {  	s0 =	simm.s32 $0x159A0;
	[sflag:s25] =	ssyncadd.s32 $0xFFFFE0C0  }
0xe8: {  	s29 =	simm.s32 $0x198A0;
	v0 =	vld [tilespmem:s0+$0x10]  }
0xe9: {  	v1 =	vld [tilespmem:s29+$0x10];
	_ =	sdelay $0x6  }
0xea: {  	v2 =	vld.idx.msk [tilespmem:v0+s18+$0x0], $0xffff  }
0xeb: {  	v3 =	vld.idx.msk [tilespmem:v1+s19+$0x0], $0xffff;
	_ =	sdelay $0x4  }
0xec: {  	v2 =	vadd.f32 v3, v2;
	_ =	sdelay $0x1  }
0xed: {  	v3 =	vmul.f32 $2.000000030e-01, v2;
	_ =	sdelay $0x1  }
0xee: {  	v2 =	vmax.f32 v2, v3  }
0xef: {  	v2 =	vmul.f32 $1.442695020e+00, v2  }
0xf0: {  	v6 =	vld [tilespmem:s29+$0xFFFFFFE0]  }
0xf1: {  	v9 =	vld [tilespmem:s29+$0xFFFFFFF0];
	(erf) = vpow2.f32 v2  }
0xf2: {  	v8 =	vld [tilespmem:s0+$0x0]  }
0xf3: {  	v7 =	vld [tilespmem:s29+$0x0]  }
0xf4: {  	v3 =	vld [tilespmem:s0+$0xFFFFFFF0];
	_ =	sdelay $0x1  }
0xf5: {  	v2 =	vld.idx.msk [tilespmem:v0+s2+$0x0], $0xffff  }
0xf6: {  	v4 =	vld [tilespmem:s0+$0xFFFFFFE0]  }
0xf7: {  	v5 =	vld.idx.msk [tilespmem:v6+s19+$0x0], $0xffff  }
0xf8: {  	v11 =	vadd.s32 $0x2710, v0;
	v12 =	vld.idx.msk [tilespmem:v9+s19+$0x0], $0xffff  }
0xf9: {  	v13 =	vld.idx.msk [tilespmem:v8+s18+$0x0], $0xffff;
	v14 =	vpop (erf)  }
0xfa: {  	v15 =	vld.idx.msk [tilespmem:v7+s19+$0x0], $0xffff;
	v2 =	vmul.f32 v14, v2  }
0xfb: {  	v10 =	vld.idx.msk [tilespmem:v3+s18+$0x0], $0xffff  }
0xfc: {  	[tilespmem:v1+s17+$0x0] =	vst.idx.add.f32.msk $0xffff, v2  }
0xfd: {  	v2 =	vld.idx.msk [tilespmem:v11+s2+$0x0], $0xffff  }
0xfe: {  	s0 =	simm.s32 $0x159E0;
	v11 =	vld.idx.msk [tilespmem:v4+s18+$0x0], $0xffff  }
0xff: {  	v17 =	vld [tilespmem:s0+$0x10]  }
0x100: {  	s29 =	simm.s32 $0x198E0;
	v16 =	vadd.s32 $0x2710, v1  }
0x101: {  	v18 =	vld [tilespmem:s29+$0x10];
	v12 =	vadd.f32 v12, v10  }
0x102: {  	v13 =	vadd.f32 v15, v13;
	v0 =	vadd.s32 $0x4E20, v0  }
0x103: {  	v15 =	vmul.f32 $2.000000030e-01, v12;
	v2 =	vmul.f32 v14, v2;
	v5 =	vadd.f32 v5, v11  }
0x104: {  	v11 =	vmul.f32 $2.000000030e-01, v13  }
0x105: {  	[tilespmem:v16+s17+$0x0] =	vst.idx.add.f32.msk $0xffff, v2;
	v2 =	vmax.f32 v12, v15;
	v12 =	vmul.f32 $2.000000030e-01, v5  }
0x106: {  	v20 =	vld.idx.msk [tilespmem:v4+s2+$0x0], $0xffff;
	v13 =	vmax.f32 v13, v11;
	v2 =	vmul.f32 $1.442695020e+00, v2  }
0x107: {  	v15 =	vld.idx.msk [tilespmem:v17+s18+$0x0], $0xffff;
	v5 =	vmax.f32 v5, v12;
	v12 =	vmul.f32 $1.442695020e+00, v13  }
0x108: {  	v0 =	vld.idx.msk [tilespmem:v0+s2+$0x0], $0xffff;
	(erf) = vpow2.f32 v2;
	v2 =	vmul.f32 $1.442695020e+00, v5  }
0x109: {  	v5 =	vld.idx.msk [tilespmem:v18+s19+$0x0], $0xffff;
	(erf) = vpow2.f32 v12  }
0x10a: {  	v19 =	vld.idx.msk [tilespmem:v3+s2+$0x0], $0xffff;
	(erf) = vpow2.f32 v2  }
0x10b: {  	v10 =	vld [tilespmem:s29+$0xFFFFFFE0];
	v1 =	vadd.s32 $0x4E20, v1  }
0x10c: {  	v11 =	vld [tilespmem:s0+$0xFFFFFFF0]  }
0x10d: {  	v13 =	vld [tilespmem:s29+$0x0]  }
0x10e: {  	v16 =	vld [tilespmem:s0+$0x0];
	v0 =	vmul.f32 v14, v0;
	v5 =	vadd.f32 v5, v15  }
0x10f: {  	v12 =	vld [tilespmem:s29+$0xFFFFFFF0]  }
0x110: {  	[tilespmem:v1+s17+$0x0] =	vst.idx.add.f32.msk $0xffff, v0;
	v0 =	vmul.f32 $2.000000030e-01, v5  }
0x111: {  	v2 =	vld.idx.msk [tilespmem:v8+s2+$0x0], $0xffff;
	v21 =	vpop (erf)  }
0x112: {  	v14 =	vld [tilespmem:s0+$0xFFFFFFE0];
	v0 =	vmax.f32 v5, v0;
	v23 =	vpop (erf)  }
0x113: {  	v24 =	vadd.s32 $0x2710, v4;
	v15 =	vld.idx.msk [tilespmem:v10+s19+$0x0], $0xffff;
	v0 =	vmul.f32 $1.442695020e+00, v0;
	v27 =	vpop (erf)  }
0x114: {  	v1 =	vld.idx.msk [tilespmem:v11+s18+$0x0], $0xffff;
	v20 =	vmul.f32 v27, v20  }
0x115: {  	v28 =	vadd.s32 $0x2710, v3;
	v25 =	vld.idx.msk [tilespmem:v13+s19+$0x0], $0xffff;
	(erf) = vpow2.f32 v0;
	v0 =	vmul.f32 v21, v19  }
0x116: {  	[tilespmem:v6+s17+$0x0] =	vst.idx.add.f32.msk $0xffff, v20  }
0x117: {  	[tilespmem:v9+s17+$0x0] =	vst.idx.add.f32.msk $0xffff, v0;
	v0 =	vmul.f32 v23, v2  }
0x118: {  	v2 =	vld.idx.msk [tilespmem:v24+s2+$0x0], $0xffff  }
0x119: {  	[tilespmem:v7+s17+$0x0] =	vst.idx.add.f32.msk $0xffff, v0  }
0x11a: {  	v20 =	vadd.s32 $0x2710, v8;
	v0 =	vld.idx.msk [tilespmem:v28+s2+$0x0], $0xffff  }
0x11b: {  	v29 =	vadd.s32 $0x2710, v6;
	v22 =	vld.idx.msk [tilespmem:v12+s19+$0x0], $0xffff  }
0x11c: {  	v30 =	vadd.s32 $0x2710, v9;
	v24 =	vld.idx.msk [tilespmem:v17+s2+$0x0], $0xffff  }
0x11d: {  	v5 =	vld.idx.msk [tilespmem:v16+s18+$0x0], $0xffff  }
0x11e: {  	v19 =	vld.idx.msk [tilespmem:v14+s18+$0x0], $0xffff;
	v2 =	vmul.f32 v27, v2  }
0x11f: {  	v28 =	vadd.s32 $0x2710, v17;
	v20 =	vld.idx.msk [tilespmem:v20+s2+$0x0], $0xffff;
	v0 =	vmul.f32 v21, v0  }
0x120: {  	v4 =	vadd.s32 $0x4E20, v4;
	v51 =	vpop (erf);
	[tilespmem:v29+s17+$0x0] =	vst.idx.add.f32.msk $0xffff, v2  }
0x121: {  	v52 =	vadd.s32 $0x2710, v7;
	s29 =	simm.s32 $0x19920;
	v24 =	vmul.f32 v51, v24;
	[tilespmem:v30+s17+$0x0] =	vst.idx.add.f32.msk $0xffff, v0  }
0x122: {  	v0 =	vld [tilespmem:s29+$0x10]  }
0x123: {  	v2 =	vadd.s32 $0x4E20, v3;
	[tilespmem:v18+s17+$0x0] =	vst.idx.add.f32.msk $0xffff, v24  }
0x124: {  	v3 =	vmul.f32 v23, v20;
	v20 =	vld.idx.msk [tilespmem:v28+s2+$0x0], $0xffff  }
0x125: {  	v24 =	vld.idx.msk [tilespmem:v4+s2+$0x0], $0xffff  }
0x126: {  	s0 =	simm.s32 $0x15A20;
	v15 =	vadd.f32 v15, v19;
	[tilespmem:v52+s17+$0x0] =	vst.idx.add.f32.msk $0xffff, v3;
	v3 =	vadd.s32 $0x2710, v18  }
0x127: {  	v28 =	vld [tilespmem:s0+$0x10]  }
0x128: {  	v19 =	vmul.f32 $2.000000030e-01, v15;
	v4 =	vadd.s32 $0x4E20, v17;
	v17 =	vld.idx.msk [tilespmem:v2+s2+$0x0], $0xffff;
	v2 =	vadd.f32 v22, v1  }
0x129: {  	v26 =	vld.idx.msk [tilespmem:v11+s2+$0x0], $0xffff;
	v5 =	vadd.f32 v25, v5;
	v20 =	vmul.f32 v51, v20  }
0x12a: {  	v15 =	vmax.f32 v15, v19;
	v19 =	vld [tilespmem:s0+$0x0];
	v22 =	vmul.f32 $2.000000030e-01, v2  }
0x12b: {  	[tilespmem:v3+s17+$0x0] =	vst.idx.add.f32.msk $0xffff, v20;
	v3 =	vmul.f32 $2.000000030e-01, v5  }
0x12c: {  	v2 =	vmax.f32 v2, v22;
	v22 =	vld.idx.msk [tilespmem:v0+s19+$0x0], $0xffff  }
0x12d: {  	v20 =	vld [tilespmem:s0+$0xFFFFFFF0];
	v2 =	vmul.f32 $1.442695020e+00, v2;
	v5 =	vmax.f32 v5, v3  }
0x12e: {  	v3 =	vld [tilespmem:s29+$0xFFFFFFF0];
	v5 =	vmul.f32 $1.442695020e+00, v5  }
0x12f: {  	(erf) = vpow2.f32 v2;
	v2 =	vmul.f32 $1.442695020e+00, v15;
	v15 =	vld.idx.msk [tilespmem:v28+s18+$0x0], $0xffff  }
0x130: {  	v4 =	vld.idx.msk [tilespmem:v4+s2+$0x0], $0xffff;
	(erf) = vpow2.f32 v5  }
0x131: {  	v31 =	vld.idx.msk [tilespmem:v14+s2+$0x0], $0xffff;
	(erf) = vpow2.f32 v2  }
0x132: {  	v30 =	vld [tilespmem:s0+$0xFFFFFFE0]  }
0x133: {  	v1 =	vld [tilespmem:s29+$0xFFFFFFE0]  }
0x134: {  	v18 =	vadd.s32 $0x4E20, v18;
	v5 =	vld [tilespmem:s29+$0x0];
	v15 =	vadd.f32 v22, v15  }
0x135: {  	v2 =	vmul.f32 v51, v4;
	v29 =	vld.idx.msk [tilespmem:v20+s18+$0x0], $0xffff  }
0x136: {  	v25 =	vmul.f32 $2.000000030e-01, v15;
	v22 =	vld.idx.msk [tilespmem:v3+s19+$0x0], $0xffff  }
0x137: {  	v53 =	vld.idx.msk [tilespmem:v16+s2+$0x0], $0xffff  }
0x138: {  	v54 =	vld.idx.msk [tilespmem:v19+s18+$0x0], $0xffff;
	v4 =	vpop (erf);
	v15 =	vmax.f32 v15, v25  }
0x139: {  	[tilespmem:v18+s17+$0x0] =	vst.idx.add.f32.msk $0xffff, v2;
	v15 =	vmul.f32 $1.442695020e+00, v15;
	v2 =	vpop (erf)  }
0x13a: {  	v57 =	vadd.s32 $0x4E20, v6;
	v38 =	vadd.s32 $0x4E20, v9;
	v39 =	vadd.s32 $0x2710, v14;
	v37 =	vld.idx.msk [tilespmem:v30+s18+$0x0], $0xffff;
	v6 =	vpop (erf)  }
0x13b: {  	v18 =	vld.idx.msk [tilespmem:v1+s19+$0x0], $0xffff;
	(erf) = vpow2.f32 v15;
	v22 =	vadd.f32 v22, v29;
	v9 =	vmul.f32 v6, v31  }
0x13c: {  	v56 =	vld.idx.msk [tilespmem:v5+s19+$0x0], $0xffff;
	v31 =	vmul.f32 v4, v26  }
0x13d: {  	v40 =	vadd.s32 $0x2710, v16;
	v41 =	vmul.f32 $2.000000030e-01, v22;
	[tilespmem:v10+s17+$0x0] =	vst.idx.add.f32.msk $0xffff, v9  }
0x13e: {  	v43 =	vadd.s32 $0x2710, v12;
	v15 =	vadd.s32 $0x4E20, v8;
	v8 =	vadd.s32 $0x4E20, v10;
	[tilespmem:v12+s17+$0x0] =	vst.idx.add.f32.msk $0xffff, v31  }
0x13f: {  	v29 =	vadd.s32 $0x2710, v11;
	v31 =	vadd.s32 $0x2710, v10;
	v10 =	vmax.f32 v22, v41;
	v22 =	vld.idx.msk [tilespmem:v39+s2+$0x0], $0xffff  }
0x140: {  	v34 =	vmul.f32 v2, v53;
	v9 =	vadd.s32 $0x4E20, v12;
	v12 =	vadd.s32 $0x4E20, v16;
	v16 =	vld.idx.msk [tilespmem:v28+s2+$0x0], $0xffff  }
0x141: {  	v55 =	vld.idx.msk [tilespmem:v20+s2+$0x0], $0xffff;
	v37 =	vadd.f32 v18, v37  }
0x142: {  	v59 =	vadd.s32 $0x4E20, v14;
	v14 =	vmul.f32 v27, v24;
	[tilespmem:v13+s17+$0x0] =	vst.idx.add.f32.msk $0xffff, v34;
	v32 =	vadd.f32 v56, v54  }
0x143: {  	v21 =	vmul.f32 v21, v17;
	v17 =	vadd.s32 $0x2710, v20;
	v62 =	vmul.f32 $2.000000030e-01, v37;
	v60 =	vld.idx.msk [tilespmem:v15+s2+$0x0], $0xffff  }
0x144: {  	v15 =	vadd.s32 $0x4E20, v20;
	v24 =	vld.idx.msk [tilespmem:v29+s2+$0x0], $0xffff;
	v20 =	vmul.f32 $2.000000030e-01, v32;
	v29 =	vpop (erf);
	v22 =	vmul.f32 v6, v22  }
0x145: {  	v42 =	vadd.s32 $0x4E20, v11;
	v27 =	vld.idx.msk [tilespmem:v40+s2+$0x0], $0xffff;
	v11 =	vmul.f32 $1.442695020e+00, v10;
	v16 =	vmul.f32 v29, v16  }
0x146: {  	v20 =	vmax.f32 v32, v20;
	[tilespmem:v31+s17+$0x0] =	vst.idx.add.f32.msk $0xffff, v22  }
0x147: {  	(erf) = vpow2.f32 v11;
	[tilespmem:v0+s17+$0x0] =	vst.idx.add.f32.msk $0xffff, v16;
	v16 =	vmax.f32 v37, v62;
	v31 =	vmul.f32 $1.442695020e+00, v20  }
0x148: {  	v58 =	vadd.s32 $0x2710, v13;
	v63 =	vmul.f32 $1.442695020e+00, v16  }
0x149: {  	v61 =	vadd.s32 $0x2710, v28;
	[tilespmem:v57+s17+$0x0] =	vst.idx.add.f32.msk $0xffff, v14;
	(erf) = vpow2.f32 v31  }
0x14a: {  	[tilespmem:v38+s17+$0x0] =	vst.idx.add.f32.msk $0xffff, v21;
	(erf) = vpow2.f32 v63  }
0x14b: {  	v25 =	vld.idx.msk [tilespmem:v30+s2+$0x0], $0xffff;
	v27 =	vmul.f32 v2, v27  }
0x14c: {  	v7 =	vadd.s32 $0x4E20, v7;
	v35 =	vadd.s32 $0x2710, v0;
	v26 =	vld.idx.msk [tilespmem:v19+s2+$0x0], $0xffff  }
0x14d: {  	v36 =	vadd.s32 $0x4E20, v28;
	v21 =	vadd.s32 $0x2710, v19;
	v14 =	vadd.s32 $0x4E20, v3;
	[tilespmem:v58+s17+$0x0] =	vst.idx.add.f32.msk $0xffff, v27  }
0x14e: {  	v18 =	vadd.s32 $0x2710, v3;
	v19 =	vadd.s32 $0x4E20, v19;
	v22 =	vmul.f32 v4, v24;
	v34 =	vld.idx.msk [tilespmem:v61+s2+$0x0], $0xffff  }
0x14f: {  	v10 =	vadd.s32 $0x4E20, v13;
	v13 =	vadd.s32 $0x2710, v1;
	v11 =	vadd.s32 $0x4E20, v1;
	v32 =	vld.idx.msk [tilespmem:v59+s2+$0x0], $0xffff  }
0x150: {  	v23 =	vmul.f32 v23, v60;
	v20 =	vadd.s32 $0x2710, v5;
	v24 =	vadd.s32 $0x2710, v30;
	[tilespmem:v43+s17+$0x0] =	vst.idx.add.f32.msk $0xffff, v22;
	v31 =	vpop (erf)  }
0x151: {  	s30 =	simm.s32 $0x80;
	s31 =	simm.s32 $0x15A60;
	v16 =	vadd.s32 $0x4E20, v5;
	v22 =	vadd.s32 $0x4E20, v30;
	v33 =	vld.idx.msk [tilespmem:v42+s2+$0x0], $0xffff;
	v30 =	vmul.f32 v31, v55  }
.LBB2_5:
0x152: {  	v27 =	vld [tilespmem:s31+$0x10];
	s29 =	sadd.s32 $0x40, s29;
	v28 =	vpop (erf)  }
0x153: {  	s30 =	sadd.s32 $0x40, s30;
	v37 =	vld [tilespmem:s29+$0x10];
	v38 =	vmul.f32 v28, v26;
	v26 =	vmul.f32 v29, v34;
	v34 =	vpop (erf)  }
0x154: {  	p1 =	slt.u32 s30, $0x1F00;
	v39 =	vld [tilespmem:s29+$0xFFFFFFE0];
	v40 =	vmul.f32 v34, v25  }
0x155: {  	[tilespmem:v35+s17+$0x0] =	vst.idx.add.f32.msk $0xffff, v26  }
0x156: {  	v32 =	vmul.f32 v6, v32;
	v6 =	vmov v34;
	v25 =	vld.idx.msk [tilespmem:v36+s2+$0x0], $0xffff  }
0x157: {  	v33 =	vmul.f32 v4, v33;
	v4 =	vmov v31;
	v26 =	vld [tilespmem:s31+$0xFFFFFFF0]  }
0x158: {  	v31 =	vld [tilespmem:s29+$0xFFFFFFF0]  }
0x159: {  	v41 =	vadd.s32 $0x4E20, v0;
	v0 =	vmovc v37;
	v34 =	vadd.s32 $0x2710, v39;
	v35 =	vadd.s32 $0x4E20, v39;
	v36 =	vld [tilespmem:s31+$0x0]  }
0x15a: {  	v42 =	vld.idx.msk [tilespmem:v27+s18+$0x0], $0xffff  }
0x15b: {  	v37 =	vld.idx.msk [tilespmem:v37+s19+$0x0], $0xffff  }
0x15c: {  	v25 =	vmul.f32 v29, v25;
	v43 =	vadd.s32 $0x2710, v26;
	v44 =	vadd.s32 $0x4E20, v26;
	v45 =	vld [tilespmem:s29+$0x0]  }
0x15d: {  	v29 =	vld [tilespmem:s31+$0xFFFFFFE0];
	v46 =	vadd.s32 $0x2710, v31;
	v47 =	vadd.s32 $0x4E20, v31  }
0x15e: {  	v48 =	vadd.s32 $0x2710, v36;
	v49 =	vadd.s32 $0x4E20, v36;
	[tilespmem:v41+s17+$0x0] =	vst.idx.add.f32.msk $0xffff, v25  }
0x15f: {  	v41 =	vld.idx.msk [tilespmem:v39+s19+$0x0], $0xffff  }
0x160: {  	v50 =	vld.idx.msk [tilespmem:v26+s18+$0x0], $0xffff  }
0x161: {  	v25 =	vadd.f32 v37, v42;
	v51 =	vld.idx.msk [tilespmem:v31+s19+$0x0], $0xffff;
	v52 =	vadd.s32 $0x2710, v45;
	v53 =	vadd.s32 $0x4E20, v45  }
0x162: {  	v37 =	vadd.s32 $0x2710, v29;
	v42 =	vadd.s32 $0x4E20, v29;
	v54 =	vld.idx.msk [tilespmem:v36+s18+$0x0], $0xffff  }
0x163: {  	v55 =	vld.idx.msk [tilespmem:v26+s2+$0x0], $0xffff;
	v26 =	vmul.f32 $2.000000030e-01, v25  }
0x164: {  	v56 =	vld.idx.msk [tilespmem:v45+s19+$0x0], $0xffff  }
0x165: {  	v57 =	vld.idx.msk [tilespmem:v29+s18+$0x0], $0xffff;
	v26 =	vmax.f32 v25, v26  }
0x166: {  	v25 =	vld.idx.msk [tilespmem:v29+s2+$0x0], $0xffff;
	v29 =	vmul.f32 $1.442695020e+00, v26  }
0x167: {  	v50 =	vadd.f32 v51, v50;
	v26 =	vld.idx.msk [tilespmem:v36+s2+$0x0], $0xffff  }
0x168: {  	(erf) = vpow2.f32 v29;
	[tilespmem:v1+s17+$0x0] =	vst.idx.add.f32.msk $0xffff, v40;
	v1 =	vmov v39  }
0x169: {  	v29 =	vmul.f32 $2.000000030e-01, v50;
	[tilespmem:v3+s17+$0x0] =	vst.idx.add.f32.msk $0xffff, v30;
	v3 =	vmov v31  }
0x16a: {  	v30 =	vadd.f32 v56, v54;
	[tilespmem:v5+s17+$0x0] =	vst.idx.add.f32.msk $0xffff, v38;
	v5 =	vmov v45  }
0x16b: {  	v31 =	vadd.f32 v41, v57;
	v29 =	vmax.f32 v50, v29;
	v36 =	vld.idx.msk [tilespmem:v24+s2+$0x0], $0xffff;
	v24 =	vmov v37  }
0x16c: {  	v29 =	vmul.f32 $1.442695020e+00, v29;
	v37 =	vmul.f32 $2.000000030e-01, v30;
	v38 =	vld.idx.msk [tilespmem:v27+s2+$0x0], $0xffff  }
0x16d: {  	v39 =	vmul.f32 $2.000000030e-01, v31;
	v40 =	vld.idx.msk [tilespmem:v17+s2+$0x0], $0xffff;
	v17 =	vmov v43  }
0x16e: {  	v30 =	vmax.f32 v30, v37;
	(erf) = vpow2.f32 v29;
	v37 =	vld.idx.msk [tilespmem:v21+s2+$0x0], $0xffff;
	v21 =	vmov v48  }
0x16f: {  	v43 =	vmax.f32 v31, v39;
	v30 =	vmul.f32 $1.442695020e+00, v30;
	v31 =	vld.idx.msk [tilespmem:v12+s2+$0x0], $0xffff;
	v12 =	vmovc v19;
	v19 =	vmov v49  }
0x170: {  	v41 =	vadd.s32 $0x2710, v27;
	v39 =	vmul.f32 $1.442695020e+00, v43;
	[tilespmem:v8+s17+$0x0] =	vst.idx.add.f32.msk $0xffff, v32;
	v8 =	vmovc v11;
	v11 =	vmov v35  }
0x171: {  	(erf) = vpow2.f32 v30;
	v29 =	vpop (erf);
	v30 =	vmul.f32 v6, v36;
	[tilespmem:v9+s17+$0x0] =	vst.idx.add.f32.msk $0xffff, v33;
	v9 =	vmov v14  }
0x172: {  	v14 =	vmovc v47;
	v32 =	vmul.f32 v29, v38;
	(erf) = vpow2.f32 v39;
	[tilespmem:v7+s17+$0x0] =	vst.idx.add.f32.msk $0xffff, v23;
	v7 =	vmov v10  }
0x173: {  	v10 =	vmovc v16;
	v16 =	vmov v53;
	[tilespmem:v13+s17+$0x0] =	vst.idx.add.f32.msk $0xffff, v30;
	v30 =	vmul.f32 v4, v40;
	v13 =	vmov v34  }
0x174: {  	[tilespmem:v0+s17+$0x0] =	vst.idx.add.f32.msk $0xffff, v32;
	v32 =	vmul.f32 v28, v37  }
.Ltmp3:
0x175: {  	v23 =	vmul.f32 v2, v31;
	v2 =	vmov v28;
	v34 =	vld.idx.msk [tilespmem:v41+s2+$0x0], $0xffff;
	(pc) =	sbr.rel @p1 .LBB2_5-.Ltmp3, $4  }
0x176: {  	[tilespmem:v18+s17+$0x0] =	vst.idx.add.f32.msk $0xffff, v30;
	v18 =	vmov v46  }
0x177: {  	v31 =	vpop (erf);
	[tilespmem:v20+s17+$0x0] =	vst.idx.add.f32.msk $0xffff, v32;
	v20 =	vmov v52  }
0x178: {  	v35 =	vadd.s32 $0x2710, v0;
	v30 =	vmul.f32 v31, v55;
	v32 =	vld.idx.msk [tilespmem:v22+s2+$0x0], $0xffff;
	v22 =	vmov v42  }
0x179: {  	s31 =	sadd.s32 $0x40, s31;
	v36 =	vadd.s32 $0x4E20, v27;
	v33 =	vld.idx.msk [tilespmem:v15+s2+$0x0], $0xffff;
	v15 =	vmov v44  }
0x17a: {  	_ =	sdelay $0x3  }
0x17b: {  	v27 =	vpop (erf);
	[tilespmem:v3+s17+$0x0] =	vst.idx.add.f32.msk $0xffff, v30  }
0x17c: {  	v55 =	vld.idx.msk [tilespmem:v12+s2+$0x0], $0xffff;
	v51 =	vpop (erf);
	v52 =	vmul.f32 v27, v26  }
0x17d: {  	v17 =	vld.idx.msk [tilespmem:v17+s2+$0x0], $0xffff;
	v25 =	vmul.f32 v51, v25  }
0x17e: {  	[tilespmem:v5+s17+$0x0] =	vst.idx.add.f32.msk $0xffff, v52  }
0x17f: {  	[tilespmem:v1+s17+$0x0] =	vst.idx.add.f32.msk $0xffff, v25  }
0x180: {  	v3 =	vld.idx.msk [tilespmem:v21+s2+$0x0], $0xffff  }
0x181: {  	v28 =	vmul.f32 v29, v34;
	v1 =	vld.idx.msk [tilespmem:v24+s2+$0x0], $0xffff  }
0x182: {  	[tilespmem:v7+s17+$0x0] =	vst.idx.add.f32.msk $0xffff, v23  }
0x183: {  	[tilespmem:v35+s17+$0x0] =	vst.idx.add.f32.msk $0xffff, v28;
	v56 =	vmul.f32 v31, v17  }
0x184: {  	v28 =	vld.idx.msk [tilespmem:v36+s2+$0x0], $0xffff  }
0x185: {  	[tilespmem:v18+s17+$0x0] =	vst.idx.add.f32.msk $0xffff, v56;
	v57 =	vmul.f32 v27, v3  }
0x186: {  	v5 =	vld.idx.msk [tilespmem:v15+s2+$0x0], $0xffff;
	v54 =	vmul.f32 v51, v1  }
0x187: {  	[tilespmem:v20+s17+$0x0] =	vst.idx.add.f32.msk $0xffff, v57  }
0x188: {  	v0 =	vadd.s32 $0x4E20, v0;
	[tilespmem:v13+s17+$0x0] =	vst.idx.add.f32.msk $0xffff, v54  }
0x189: {  	v6 =	vmul.f32 v6, v32;
	v60 =	vld.idx.msk [tilespmem:v19+s2+$0x0], $0xffff  }
0x18a: {  	v59 =	vmul.f32 v4, v33;
	v58 =	vld.idx.msk [tilespmem:v22+s2+$0x0], $0xffff  }
0x18b: {  	[tilespmem:v8+s17+$0x0] =	vst.idx.add.f32.msk $0xffff, v6;
	v53 =	vmul.f32 v29, v28  }
0x18c: {  	[tilespmem:v9+s17+$0x0] =	vst.idx.add.f32.msk $0xffff, v59;
	v1 =	vmul.f32 v2, v55  }
.Ltmp4:
0x18d: {  	[tilespmem:v0+s17+$0x0] =	vst.idx.add.f32.msk $0xffff, v53;
	v62 =	vmul.f32 v31, v5;
	(pc) =	sbr.rel @p0 .LBB2_8-.Ltmp4, $4  }
0x18e: {  	[tilespmem:v10+s17+$0x0] =	vst.idx.add.f32.msk $0xffff, v1;
	v63 =	vmul.f32 v27, v60  }
0x18f: {  	[tilespmem:v14+s17+$0x0] =	vst.idx.add.f32.msk $0xffff, v62;
	v61 =	vmul.f32 v51, v58  }
0x190: {  	[tilespmem:v16+s17+$0x0] =	vst.idx.add.f32.msk $0xffff, v63  }
0x191: {  	[tilespmem:v11+s17+$0x0] =	vst.idx.add.f32.msk $0xffff, v61  }
0x192: {  	s0 =	smul.u32 $0x3E80, s28;
	_ =	sdelay $0x1  }
0x193: {  	s0 =	sadd.s32 $0x5DC0, s0  }
0x194: {  	s29 =	sadd.s32 s5, s0  }
.Ltmp5:
0x195: {  	s0 =	sadd.s32 s7, s0;
	s29 =	sshrl.u32 s29, $0x3;
	(pc) =	sbr.rel .LBB2_2-.Ltmp5, $4  }
0x196: {  	s0 =	sshrl.u32 s0, $0x3;
	s29 =	sadd.s32 s6, s29  }
0x197: {  	[tilespmem:s22], [sflag:$0x2] =	stream.linear.gather [hbm4b:s29+s2], $0x1F40, $0x38;
	[tilespmem:$0x1B800] =	vst v63  }
0x198: {  	s28 =	sadd.s32 $0x1, s28;
	s0 =	sadd.s32 s6, s0  }
0x199: {  	[tilespmem:s23], [sflag:$0x2] =	stream.linear.gather [hbm4b:s0+s2], $0x1F40, $0x38;
	[tilespmem:$0x1B800] =	vst v63  }
.LBB2_9:
0x19a: {  	_ =	sfence.sel $0x180000  }
0x19b: {  	[bflag:$0x0] =	sbarrier.arrive $0xFFFF  }
0x19c: {  	_ =	strace $0x90000047  }
0x19d: {  	[bflag:$0x2] =	sbarrier.arrive $0xFFFF  }
0x19e: {  	p0 =	sne.s32 s1, $0x0;
	s0 =	rddreg [dreg:$0x2]  }
0x19f: {  	s0 =	sadd.s32 @!p0 $0x100000, s0  }
0x1a0: {  	[sflag:s0] =	ssyncadd.tile.s32 @!p0 $0x1;
	_ =	shalt  }
.Lfunc_end2:
_tile_overlayer_lowered:
.L_overlay_start_2:
0x1a1: {  	(tag) =	ssettag $0x2  }
0x1a2: {  	s0 =	rddreg [dreg:$0x0];
	s2 =	stileid.u32  }
0x1a3: {  	s1 =	rddreg [dreg:$0x1];
	p0 =	sne.s32 s2, $0x0  }
0x1a4: {  	s3 =	rddreg [dreg:$0x2];
	[bflag:$0x3] =	sbarrier.arrive $0xFFFF;
	s2 =	simm.s32 @!p0 $0x1C03  }
0x1a5: {  	[timem:s3], [sflag:s2] =	dma.local @!p0 [hbm:s0], s1  }
0x1a6: {  	s0 =	simm.s32 @!p0 $0x3  }
0x1a7: {  	_ =	swait.ge @!p0 [sflag:s0], s1  }
0x1a8: {  	s1 =	ssub.s32 @!p0 $0x0, s1;
	[sflag:s0] =	ssyncset.done @!p0 $0x0  }
0x1a9: {  	[sflag:s0] =	ssyncadd.s32 @!p0 s1  }
0x1aa: {  	[bflag:$0x3] =	sbarrier.arrive $0xFFFF  }
0x1ab: {  	_ =	shalt  }

</sc_bundles>
